<compile_context>
chip_gen: v7x
topology: tpu7x:2x2x1
jax: 0.10.2.dev20260603
libtpu: 0.0.44.dev20260713+nightly
codegen_flags: <defaults>
</compile_context>

<pallas_src>
import functools

import jax
import jax.numpy as jnp
from jax import lax
from jax.experimental import pallas as pl
from jax.experimental.pallas import tpu as pltpu, tpu_sc as plsc

_D = 10
_K = 32
_CH = 1024

_GDN = lax.GatherDimensionNumbers(
    offset_dims=(), collapsed_slice_dims=(0,), start_index_map=(0,))


def _shuffle(v, idx):
    return lax.gather(v, idx[:, None], _GDN, (1,),
                      mode=lax.GatherScatterMode.PROMISE_IN_BOUNDS)


def _make_sc_decode(total_rows):
    info = plsc.get_sparse_core_info()
    nw = info.num_cores * info.num_subcores
    rows_w = total_rows // nw
    nch = rows_w // _CH
    mesh = plsc.VectorSubcoreMesh(core_axis_name="c", subcore_axis_name="s")

    @functools.partial(
        pl.kernel,
        mesh=mesh,
        out_type=jax.ShapeDtypeStruct((total_rows * _D,), jnp.float32),
        scratch_types=[
            pltpu.VMEM((_CH * _D + 16,), jnp.float32),
            pltpu.VMEM((_CH * _D + 16,), jnp.float32),
            pltpu.VMEM((_K * _D + 16,), jnp.float32),
            pltpu.VMEM((_K * _D + 16,), jnp.float32),
            pltpu.VMEM((_K,), jnp.float32),
        ],
    )
    def sc_decode(sig_hbm, cbt_hbm, cbr_hbm, nh_hbm, out_hbm,
                  in_v, out_v, cbt_v, cbr_v, nh_v):
        wid = lax.axis_index("s") * info.num_cores + lax.axis_index("c")
        pltpu.sync_copy(cbt_hbm, cbt_v.at[pl.ds(0, _K * _D)])
        pltpu.sync_copy(cbr_hbm, cbr_v.at[pl.ds(0, _K * _D)])
        pltpu.sync_copy(nh_hbm, nh_v)
        cb_lo = [cbt_v[pl.ds(d * _K, 16)] for d in range(_D)]
        cb_hi = [cbt_v[pl.ds(d * _K + 16, 16)] for d in range(_D)]
        nh_lo = nh_v[pl.ds(0, 16)]
        nh_hi = nh_v[pl.ds(16, 16)]
        iota = lax.iota(jnp.int32, 16)
        lane_idx = [iota * 0 + d for d in range(_D)]
        base_w = wid * (rows_w * _D)

        def chunk_body(c, _):
            base = base_w + c * (_CH * _D)
            pltpu.sync_copy(sig_hbm.at[pl.ds(base, _CH * _D)],
                            in_v.at[pl.ds(0, _CH * _D)])

            def row_body(r, _):
                o = r * _D
                xr = in_v[pl.ds(o, 16)]
                t = xr * 65537.0
                xv = t - (t - xr)
                xs = [_shuffle(xv, lane_idx[d]) for d in range(_D)]

                def tsum(ps):
                    while len(ps) > 1:
                        nxt = [a + b for a, b in zip(ps[::2], ps[1::2])]
                        if len(ps) % 2:
                            nxt.append(ps[-1])
                        ps = nxt
                    return ps[0]

                lo = nh_lo + tsum([xs[d] * cb_lo[d] for d in range(_D)])
                hi = nh_hi + tsum([xs[d] * cb_hi[d] for d in range(_D)])
                m = jnp.maximum(lo, hi)
                for s in (8, 4, 2, 1):
                    m = jnp.maximum(m, _shuffle(m, iota ^ s))
                k = jnp.minimum(jnp.where(lo == m, iota, 64),
                                jnp.where(hi == m, iota + 16, 64))
                for s in (8, 4, 2, 1):
                    k = jnp.minimum(k, _shuffle(k, iota ^ s))
                out_v[pl.ds(r * _D, 16)] = cbr_v[pl.ds(k[0] * _D, 16)]
                return _

            lax.fori_loop(0, _CH, row_body, 0, unroll=4)
            pltpu.sync_copy(out_v.at[pl.ds(0, _CH * _D)],
                            out_hbm.at[pl.ds(base, _CH * _D)])
            return _

        lax.fori_loop(0, nch, chunk_body, 0)

    return sc_decode


def kernel(signal, codebook):
    b, n, d = signal.shape
    total_rows = b * n
    sig_flat = signal.reshape(total_rows * d)
    cbt = codebook.T.reshape(-1)
    cbr = codebook.reshape(-1)
    nh = -0.5 * jnp.sum(codebook * codebook, axis=1)
    out_flat = _make_sc_decode(total_rows)(sig_flat, cbt, cbr, nh)
    return out_flat.reshape(b, n, d)

# --- scband reference (transcript-rebuilt; emitter-appended) ---
"""Pipeline reference for scband-soft-decision-ml10-5-1726576857965 (READ-ONLY COPY).

The authoritative reference and input builder live on the scoring server;
editing this copy changes nothing except your own understanding.
"""

import jax, jax.numpy as jnp
import numpy as np

_SD_C = np.array([[-1,-1,-1,-1,-1,-1,-1,-1,-1,-1],[-1,-1,-1,-1,1,1,-1,-1,-1,1],[-1,-1,-1,1,-1,-1,-1,-1,1,1],[-1,-1,-1,1,1,1,-1,-1,1,-1],[-1,-1,1,-1,-1,-1,-1,1,1,-1],[-1,-1,1,-1,1,1,-1,1,1,1],[-1,-1,1,1,-1,-1,-1,1,-1,1],[-1,-1,1,1,1,1,-1,1,-1,-1],[-1,1,-1,-1,-1,-1,1,1,-1,-1],[-1,1,-1,-1,1,1,1,1,-1,1],[-1,1,-1,1,-1,-1,1,1,1,1],[-1,1,-1,1,1,1,1,1,1,-1],[-1,1,1,-1,-1,-1,1,-1,1,-1],[-1,1,1,-1,1,1,1,-1,1,1],[-1,1,1,1,-1,-1,1,-1,-1,1],[-1,1,1,1,1,1,1,-1,-1,-1],[1,-1,-1,-1,-1,1,1,-1,-1,-1],[1,-1,-1,-1,1,-1,1,-1,-1,1],[1,-1,-1,1,-1,1,1,-1,1,1],[1,-1,-1,1,1,-1,1,-1,1,-1],[1,-1,1,-1,-1,1,1,1,1,-1],[1,-1,1,-1,1,-1,1,1,1,1],[1,-1,1,1,-1,1,1,1,-1,1],[1,-1,1,1,1,-1,1,1,-1,-1],[1,1,-1,-1,-1,1,-1,1,-1,-1],[1,1,-1,-1,1,-1,-1,1,-1,1],[1,1,-1,1,-1,1,-1,1,1,1],[1,1,-1,1,1,-1,-1,1,1,-1],[1,1,1,-1,-1,1,-1,-1,1,-1],[1,1,1,-1,1,-1,-1,-1,1,1],[1,1,1,1,-1,1,-1,-1,-1,1],[1,1,1,1,1,-1,-1,-1,-1,-1]], dtype=np.float32)


def setup_inputs(seed: int = 0) -> dict:
    key = jax.random.key(seed)
    signal = jax.random.normal(key, (16, 16384, 10), dtype=jnp.float32)
    codebook = jnp.asarray(_SD_C)
    return {"signal": signal, "codebook": codebook}


def reference(signal, codebook):
    # torch.cdist(signal, codebook.unsqueeze(0)) -> pairwise Euclidean distances [B, N, K]
    x2 = jnp.sum(signal * signal, axis=-1, keepdims=True)            # [B, N, 1]
    c2 = jnp.sum(codebook * codebook, axis=-1)                       # [K]
    cross = jnp.einsum("bnd,kd->bnk", signal, codebook)              # [B, N, K]
    d2 = x2 + c2[None, None, :] - 2.0 * cross
    distances = jnp.sqrt(jnp.maximum(d2, 1e-12))
    soft_assignments = jax.nn.softmax(-distances, axis=2)
    most_like = jnp.argmax(soft_assignments, axis=2)                 # [B, N]
    softdecision = jnp.take(codebook, most_like, axis=0)             # [B, N, 10]
    return softdecision

if __name__ == "__main__":
    import jax
    _d = setup_inputs()
    print(jax.jit(kernel)(*tuple(_d.values())))

</pallas_src>

<mosaic_0001>
#map = affine_map<(d0, d1) -> (0)>
module attributes {stable_mosaic.version = 14 : i64} {
  func.func @sc_decode(%arg0: i32, %arg1: i32, %arg2: memref<2621440xf32, #tpu.memory_space<hbm>>, %arg3: memref<320xf32, #tpu.memory_space<hbm>>, %arg4: memref<320xf32, #tpu.memory_space<hbm>>, %arg5: memref<32xf32, #tpu.memory_space<hbm>>, %arg6: memref<2621440xf32, #tpu.memory_space<hbm>>, %arg7: memref<10256xf32, #tpu.memory_space<vmem>>, %arg8: memref<10256xf32, #tpu.memory_space<vmem>>, %arg9: memref<336xf32, #tpu.memory_space<vmem>>, %arg10: memref<336xf32, #tpu.memory_space<vmem>>, %arg11: memref<32xf32, #tpu.memory_space<vmem>>) attributes {dimension_semantics = [#tpu.dimension_semantics<core_parallel>, #tpu.dimension_semantics<subcore_parallel>], iteration_bounds = array<i64: 2, 16>, scalar_prefetch = 0 : i64, scratch_operands = 5 : i64, tpu.core_type = #tpu.core_type<sc_vector_subcore>, window_params = [{transform_indices = #map}, {transform_indices = #map}, {transform_indices = #map}, {transform_indices = #map}, {transform_indices = #map}]} {
    %mul3A = arith.constant 2 : i32
    %mul3A_0 = arith.muli %arg1, %mul3A : i32
    %add3A = arith.addi %mul3A_0, %arg0 : i32
    "tpu.region"() ({
      %run_scoped3A = tpu.sem_alloc : memref<!tpu.dma_semaphore, #tpu.memory_space<semaphore_mem>>
      %dma_start3A = arith.constant 0 : i32
      %dma_start3A_133 = tpu.memref_slice %arg9[%dma_start3A] : memref<336xf32, #tpu.memory_space<vmem>> -> memref<320xf32, #tpu.memory_space<vmem>>
      %dma_start3A_134 = arith.constant 0 : i32
      %dma_start3A_135 = tpu.memref_slice %arg9[%dma_start3A_134] : memref<336xf32, #tpu.memory_space<vmem>> -> memref<320xf32, #tpu.memory_space<vmem>>
      tpu.enqueue_dma source(%arg3 : memref<320xf32, #tpu.memory_space<hbm>>) target(%dma_start3A_135 : memref<320xf32, #tpu.memory_space<vmem>>) target_semaphore(%run_scoped3A : memref<!tpu.dma_semaphore, #tpu.memory_space<semaphore_mem>>)
      %dma_wait3A = arith.constant 0 : i32
      %dma_wait3A_136 = tpu.memref_slice %arg9[%dma_wait3A] : memref<336xf32, #tpu.memory_space<vmem>> -> memref<320xf32, #tpu.memory_space<vmem>>
      %dma_wait3A_137 = arith.constant 0 : i32
      %dma_wait3A_138 = tpu.memref_slice %arg9[%dma_wait3A_137] : memref<336xf32, #tpu.memory_space<vmem>> -> memref<320xf32, #tpu.memory_space<vmem>>
      tpu.wait_dma2 semaphore(%run_scoped3A : memref<!tpu.dma_semaphore, #tpu.memory_space<semaphore_mem>>) src(%arg3 : memref<320xf32, #tpu.memory_space<hbm>>) dst(%dma_wait3A_138 : memref<320xf32, #tpu.memory_space<vmem>>)
      tpu.yield
    }) : () -> ()
    "tpu.region"() ({
      %run_scoped3A = tpu.sem_alloc : memref<!tpu.dma_semaphore, #tpu.memory_space<semaphore_mem>>
      %dma_start3A = arith.constant 0 : i32
      %dma_start3A_133 = tpu.memref_slice %arg10[%dma_start3A] : memref<336xf32, #tpu.memory_space<vmem>> -> memref<320xf32, #tpu.memory_space<vmem>>
      %dma_start3A_134 = arith.constant 0 : i32
      %dma_start3A_135 = tpu.memref_slice %arg10[%dma_start3A_134] : memref<336xf32, #tpu.memory_space<vmem>> -> memref<320xf32, #tpu.memory_space<vmem>>
      tpu.enqueue_dma source(%arg4 : memref<320xf32, #tpu.memory_space<hbm>>) target(%dma_start3A_135 : memref<320xf32, #tpu.memory_space<vmem>>) target_semaphore(%run_scoped3A : memref<!tpu.dma_semaphore, #tpu.memory_space<semaphore_mem>>)
      %dma_wait3A = arith.constant 0 : i32
      %dma_wait3A_136 = tpu.memref_slice %arg10[%dma_wait3A] : memref<336xf32, #tpu.memory_space<vmem>> -> memref<320xf32, #tpu.memory_space<vmem>>
      %dma_wait3A_137 = arith.constant 0 : i32
      %dma_wait3A_138 = tpu.memref_slice %arg10[%dma_wait3A_137] : memref<336xf32, #tpu.memory_space<vmem>> -> memref<320xf32, #tpu.memory_space<vmem>>
      tpu.wait_dma2 semaphore(%run_scoped3A : memref<!tpu.dma_semaphore, #tpu.memory_space<semaphore_mem>>) src(%arg4 : memref<320xf32, #tpu.memory_space<hbm>>) dst(%dma_wait3A_138 : memref<320xf32, #tpu.memory_space<vmem>>)
      tpu.yield
    }) : () -> ()
    "tpu.region"() ({
      %run_scoped3A = tpu.sem_alloc : memref<!tpu.dma_semaphore, #tpu.memory_space<semaphore_mem>>
      tpu.enqueue_dma source(%arg5 : memref<32xf32, #tpu.memory_space<hbm>>) target(%arg11 : memref<32xf32, #tpu.memory_space<vmem>>) target_semaphore(%run_scoped3A : memref<!tpu.dma_semaphore, #tpu.memory_space<semaphore_mem>>)
      tpu.wait_dma2 semaphore(%run_scoped3A : memref<!tpu.dma_semaphore, #tpu.memory_space<semaphore_mem>>) src(%arg5 : memref<32xf32, #tpu.memory_space<hbm>>) dst(%arg11 : memref<32xf32, #tpu.memory_space<vmem>>)
      tpu.yield
    }) : () -> ()
    %get3A = arith.constant 0 : index
    %get3A_1 = tpu.vector_load %arg9[%get3A] {strides = array<i32>} : memref<336xf32, #tpu.memory_space<vmem>>, vector<16xf32>,
    %get3A_2 = vector.shape_cast %get3A_1 : vector<16xf32> to vector<16xf32>
    %get3A_3 = arith.constant 32 : index
    %get3A_4 = tpu.vector_load %arg9[%get3A_3] {strides = array<i32>} : memref<336xf32, #tpu.memory_space<vmem>>, vector<16xf32>,
    %get3A_5 = vector.shape_cast %get3A_4 : vector<16xf32> to vector<16xf32>
    %get3A_6 = arith.constant 64 : index
    %get3A_7 = tpu.vector_load %arg9[%get3A_6] {strides = array<i32>} : memref<336xf32, #tpu.memory_space<vmem>>, vector<16xf32>,
    %get3A_8 = vector.shape_cast %get3A_7 : vector<16xf32> to vector<16xf32>
    %get3A_9 = arith.constant 96 : index
    %get3A_10 = tpu.vector_load %arg9[%get3A_9] {strides = array<i32>} : memref<336xf32, #tpu.memory_space<vmem>>, vector<16xf32>,
    %get3A_11 = vector.shape_cast %get3A_10 : vector<16xf32> to vector<16xf32>
    %get3A_12 = arith.constant 128 : index
    %get3A_13 = tpu.vector_load %arg9[%get3A_12] {strides = array<i32>} : memref<336xf32, #tpu.memory_space<vmem>>, vector<16xf32>,
    %get3A_14 = vector.shape_cast %get3A_13 : vector<16xf32> to vector<16xf32>
    %get3A_15 = arith.constant 160 : index
    %get3A_16 = tpu.vector_load %arg9[%get3A_15] {strides = array<i32>} : memref<336xf32, #tpu.memory_space<vmem>>, vector<16xf32>,
    %get3A_17 = vector.shape_cast %get3A_16 : vector<16xf32> to vector<16xf32>
    %get3A_18 = arith.constant 192 : index
    %get3A_19 = tpu.vector_load %arg9[%get3A_18] {strides = array<i32>} : memref<336xf32, #tpu.memory_space<vmem>>, vector<16xf32>,
    %get3A_20 = vector.shape_cast %get3A_19 : vector<16xf32> to vector<16xf32>
    %get3A_21 = arith.constant 224 : index
    %get3A_22 = tpu.vector_load %arg9[%get3A_21] {strides = array<i32>} : memref<336xf32, #tpu.memory_space<vmem>>, vector<16xf32>,
    %get3A_23 = vector.shape_cast %get3A_22 : vector<16xf32> to vector<16xf32>
    %get3A_24 = arith.constant 256 : index
    %get3A_25 = tpu.vector_load %arg9[%get3A_24] {strides = array<i32>} : memref<336xf32, #tpu.memory_space<vmem>>, vector<16xf32>,
    %get3A_26 = vector.shape_cast %get3A_25 : vector<16xf32> to vector<16xf32>
    %get3A_27 = arith.constant 288 : index
    %get3A_28 = tpu.vector_load %arg9[%get3A_27] {strides = array<i32>} : memref<336xf32, #tpu.memory_space<vmem>>, vector<16xf32>,
    %get3A_29 = vector.shape_cast %get3A_28 : vector<16xf32> to vector<16xf32>
    %get3A_30 = arith.constant 16 : index
    %get3A_31 = tpu.vector_load %arg9[%get3A_30] {strides = array<i32>} : memref<336xf32, #tpu.memory_space<vmem>>, vector<16xf32>,
    %get3A_32 = vector.shape_cast %get3A_31 : vector<16xf32> to vector<16xf32>
    %get3A_33 = arith.constant 48 : index
    %get3A_34 = tpu.vector_load %arg9[%get3A_33] {strides = array<i32>} : memref<336xf32, #tpu.memory_space<vmem>>, vector<16xf32>,
    %get3A_35 = vector.shape_cast %get3A_34 : vector<16xf32> to vector<16xf32>
    %get3A_36 = arith.constant 80 : index
    %get3A_37 = tpu.vector_load %arg9[%get3A_36] {strides = array<i32>} : memref<336xf32, #tpu.memory_space<vmem>>, vector<16xf32>,
    %get3A_38 = vector.shape_cast %get3A_37 : vector<16xf32> to vector<16xf32>
    %get3A_39 = arith.constant 112 : index
    %get3A_40 = tpu.vector_load %arg9[%get3A_39] {strides = array<i32>} : memref<336xf32, #tpu.memory_space<vmem>>, vector<16xf32>,
    %get3A_41 = vector.shape_cast %get3A_40 : vector<16xf32> to vector<16xf32>
    %get3A_42 = arith.constant 144 : index
    %get3A_43 = tpu.vector_load %arg9[%get3A_42] {strides = array<i32>} : memref<336xf32, #tpu.memory_space<vmem>>, vector<16xf32>,
    %get3A_44 = vector.shape_cast %get3A_43 : vector<16xf32> to vector<16xf32>
    %get3A_45 = arith.constant 176 : index
    %get3A_46 = tpu.vector_load %arg9[%get3A_45] {strides = array<i32>} : memref<336xf32, #tpu.memory_space<vmem>>, vector<16xf32>,
    %get3A_47 = vector.shape_cast %get3A_46 : vector<16xf32> to vector<16xf32>
    %get3A_48 = arith.constant 208 : index
    %get3A_49 = tpu.vector_load %arg9[%get3A_48] {strides = array<i32>} : memref<336xf32, #tpu.memory_space<vmem>>, vector<16xf32>,
    %get3A_50 = vector.shape_cast %get3A_49 : vector<16xf32> to vector<16xf32>
    %get3A_51 = arith.constant 240 : index
    %get3A_52 = tpu.vector_load %arg9[%get3A_51] {strides = array<i32>} : memref<336xf32, #tpu.memory_space<vmem>>, vector<16xf32>,
    %get3A_53 = vector.shape_cast %get3A_52 : vector<16xf32> to vector<16xf32>
    %get3A_54 = arith.constant 272 : index
    %get3A_55 = tpu.vector_load %arg9[%get3A_54] {strides = array<i32>} : memref<336xf32, #tpu.memory_space<vmem>>, vector<16xf32>,
    %get3A_56 = vector.shape_cast %get3A_55 : vector<16xf32> to vector<16xf32>
    %get3A_57 = arith.constant 304 : index
    %get3A_58 = tpu.vector_load %arg9[%get3A_57] {strides = array<i32>} : memref<336xf32, #tpu.memory_space<vmem>>, vector<16xf32>,
    %get3A_59 = vector.shape_cast %get3A_58 : vector<16xf32> to vector<16xf32>
    %get3A_60 = arith.constant 0 : index
    %get3A_61 = tpu.vector_load %arg11[%get3A_60] {strides = array<i32>} : memref<32xf32, #tpu.memory_space<vmem>>, vector<16xf32>,
    %get3A_62 = vector.shape_cast %get3A_61 : vector<16xf32> to vector<16xf32>
    %get3A_63 = arith.constant 16 : index
    %get3A_64 = tpu.vector_load %arg11[%get3A_63] {strides = array<i32>} : memref<32xf32, #tpu.memory_space<vmem>>, vector<16xf32>,
    %get3A_65 = vector.shape_cast %get3A_64 : vector<16xf32> to vector<16xf32>
    %iota3A = tpu.iota {dimensions = array<i32: 0>} : vector<16xi32>
    %mul3A_66 = arith.constant 0 : i32
    %mul3A_67 = vector.broadcast %mul3A_66 : i32 to vector<16xi32>
    %mul3A_68 = arith.muli %iota3A, %mul3A_67 : vector<16xi32>
    %add3A_69 = arith.constant 0 : i32
    %add3A_70 = vector.broadcast %add3A_69 : i32 to vector<16xi32>
    %add3A_71 = arith.addi %mul3A_68, %add3A_70 : vector<16xi32>
    %mul3A_72 = arith.constant 0 : i32
    %mul3A_73 = vector.broadcast %mul3A_72 : i32 to vector<16xi32>
    %mul3A_74 = arith.muli %iota3A, %mul3A_73 : vector<16xi32>
    %add3A_75 = arith.constant 1 : i32
    %add3A_76 = vector.broadcast %add3A_75 : i32 to vector<16xi32>
    %add3A_77 = arith.addi %mul3A_74, %add3A_76 : vector<16xi32>
    %mul3A_78 = arith.constant 0 : i32
    %mul3A_79 = vector.broadcast %mul3A_78 : i32 to vector<16xi32>
    %mul3A_80 = arith.muli %iota3A, %mul3A_79 : vector<16xi32>
    %add3A_81 = arith.constant 2 : i32
    %add3A_82 = vector.broadcast %add3A_81 : i32 to vector<16xi32>
    %add3A_83 = arith.addi %mul3A_80, %add3A_82 : vector<16xi32>
    %mul3A_84 = arith.constant 0 : i32
    %mul3A_85 = vector.broadcast %mul3A_84 : i32 to vector<16xi32>
    %mul3A_86 = arith.muli %iota3A, %mul3A_85 : vector<16xi32>
    %add3A_87 = arith.constant 3 : i32
    %add3A_88 = vector.broadcast %add3A_87 : i32 to vector<16xi32>
    %add3A_89 = arith.addi %mul3A_86, %add3A_88 : vector<16xi32>
    %mul3A_90 = arith.constant 0 : i32
    %mul3A_91 = vector.broadcast %mul3A_90 : i32 to vector<16xi32>
    %mul3A_92 = arith.muli %iota3A, %mul3A_91 : vector<16xi32>
    %add3A_93 = arith.constant 4 : i32
    %add3A_94 = vector.broadcast %add3A_93 : i32 to vector<16xi32>
    %add3A_95 = arith.addi %mul3A_92, %add3A_94 : vector<16xi32>
    %mul3A_96 = arith.constant 0 : i32
    %mul3A_97 = vector.broadcast %mul3A_96 : i32 to vector<16xi32>
    %mul3A_98 = arith.muli %iota3A, %mul3A_97 : vector<16xi32>
    %add3A_99 = arith.constant 5 : i32
    %add3A_100 = vector.broadcast %add3A_99 : i32 to vector<16xi32>
    %add3A_101 = arith.addi %mul3A_98, %add3A_100 : vector<16xi32>
    %mul3A_102 = arith.constant 0 : i32
    %mul3A_103 = vector.broadcast %mul3A_102 : i32 to vector<16xi32>
    %mul3A_104 = arith.muli %iota3A, %mul3A_103 : vector<16xi32>
    %add3A_105 = arith.constant 6 : i32
    %add3A_106 = vector.broadcast %add3A_105 : i32 to vector<16xi32>
    %add3A_107 = arith.addi %mul3A_104, %add3A_106 : vector<16xi32>
    %mul3A_108 = arith.constant 0 : i32
    %mul3A_109 = vector.broadcast %mul3A_108 : i32 to vector<16xi32>
    %mul3A_110 = arith.muli %iota3A, %mul3A_109 : vector<16xi32>
    %add3A_111 = arith.constant 7 : i32
    %add3A_112 = vector.broadcast %add3A_111 : i32 to vector<16xi32>
    %add3A_113 = arith.addi %mul3A_110, %add3A_112 : vector<16xi32>
    %mul3A_114 = arith.constant 0 : i32
    %mul3A_115 = vector.broadcast %mul3A_114 : i32 to vector<16xi32>
    %mul3A_116 = arith.muli %iota3A, %mul3A_115 : vector<16xi32>
    %add3A_117 = arith.constant 8 : i32
    %add3A_118 = vector.broadcast %add3A_117 : i32 to vector<16xi32>
    %add3A_119 = arith.addi %mul3A_116, %add3A_118 : vector<16xi32>
    %mul3A_120 = arith.constant 0 : i32
    %mul3A_121 = vector.broadcast %mul3A_120 : i32 to vector<16xi32>
    %mul3A_122 = arith.muli %iota3A, %mul3A_121 : vector<16xi32>
    %add3A_123 = arith.constant 9 : i32
    %add3A_124 = vector.broadcast %add3A_123 : i32 to vector<16xi32>
    %add3A_125 = arith.addi %mul3A_122, %add3A_124 : vector<16xi32>
    %mul3A_126 = arith.constant 81920 : i32
    %mul3A_127 = arith.muli %add3A, %mul3A_126 : i32
    %scan3A = arith.constant 0 : i32
    %scan3A_128 = arith.constant 0 : i32
    %scan3A_129 = arith.constant 8 : i32
    %scan3A_130 = arith.addi %scan3A_128, %scan3A_129 : i32
    %scan3A_131 = arith.constant 1 : i32
    scf.for %scan3A_133 = %scan3A_128 to %scan3A_130 step %scan3A_131  : i32 {
      %mul3A_134 = arith.constant 10240 : i32
      %mul3A_135 = arith.muli %scan3A_133, %mul3A_134 : i32
      %add3A_136 = arith.addi %mul3A_127, %mul3A_135 : i32
      "tpu.region"() ({
        %run_scoped3A = tpu.sem_alloc : memref<!tpu.dma_semaphore, #tpu.memory_space<semaphore_mem>>
        %dma_start3A = arith.constant 0 : i32
        %dma_start3A_143 = tpu.memref_slice %arg7[%dma_start3A] : memref<10256xf32, #tpu.memory_space<vmem>> -> memref<10240xf32, #tpu.memory_space<vmem>>
        %dma_start3A_144 = tpu.memref_slice %arg2[%add3A_136] : memref<2621440xf32, #tpu.memory_space<hbm>> -> memref<10240xf32, #tpu.memory_space<hbm>>
        %dma_start3A_145 = arith.constant 0 : i32
        %dma_start3A_146 = tpu.memref_slice %arg7[%dma_start3A_145] : memref<10256xf32, #tpu.memory_space<vmem>> -> memref<10240xf32, #tpu.memory_space<vmem>>
        %dma_start3A_147 = tpu.memref_slice %arg2[%add3A_136] : memref<2621440xf32, #tpu.memory_space<hbm>> -> memref<10240xf32, #tpu.memory_space<hbm>>
        tpu.enqueue_dma source(%dma_start3A_147 : memref<10240xf32, #tpu.memory_space<hbm>>) target(%dma_start3A_146 : memref<10240xf32, #tpu.memory_space<vmem>>) target_semaphore(%run_scoped3A : memref<!tpu.dma_semaphore, #tpu.memory_space<semaphore_mem>>)
        %dma_wait3A = arith.constant 0 : i32
        %dma_wait3A_148 = tpu.memref_slice %arg7[%dma_wait3A] : memref<10256xf32, #tpu.memory_space<vmem>> -> memref<10240xf32, #tpu.memory_space<vmem>>
        %dma_wait3A_149 = tpu.memref_slice %arg2[%add3A_136] : memref<2621440xf32, #tpu.memory_space<hbm>> -> memref<10240xf32, #tpu.memory_space<hbm>>
        %dma_wait3A_150 = arith.constant 0 : i32
        %dma_wait3A_151 = tpu.memref_slice %arg7[%dma_wait3A_150] : memref<10256xf32, #tpu.memory_space<vmem>> -> memref<10240xf32, #tpu.memory_space<vmem>>
        %dma_wait3A_152 = tpu.memref_slice %arg2[%add3A_136] : memref<2621440xf32, #tpu.memory_space<hbm>> -> memref<10240xf32, #tpu.memory_space<hbm>>
        tpu.wait_dma2 semaphore(%run_scoped3A : memref<!tpu.dma_semaphore, #tpu.memory_space<semaphore_mem>>) src(%dma_wait3A_152 : memref<10240xf32, #tpu.memory_space<hbm>>) dst(%dma_wait3A_151 : memref<10240xf32, #tpu.memory_space<vmem>>)
        tpu.yield
      }) : () -> ()
      %scan3A_137 = arith.constant 0 : i32
      %scan3A_138 = arith.constant 0 : i32
      %scan3A_139 = arith.constant 1024 : i32
      %scan3A_140 = arith.addi %scan3A_138, %scan3A_139 : i32
      %scan3A_141 = arith.constant 4 : i32
      scf.for %scan3A_143 = %scan3A_138 to %scan3A_140 step %scan3A_141  : i32 {
        %mul3A_144 = arith.constant 10 : i32
        %mul3A_145 = arith.muli %scan3A_143, %mul3A_144 : i32
        %get3A_146 = arith.index_cast %mul3A_145 : i32 to index
        %get3A_147 = tpu.vector_load %arg7[%get3A_146] {strides = array<i32>} : memref<10256xf32, #tpu.memory_space<vmem>>, vector<16xf32>,
        %get3A_148 = vector.shape_cast %get3A_147 : vector<16xf32> to vector<16xf32>
        %mul3A_149 = arith.constant 6.553700e+04 : f32
        %mul3A_150 = vector.broadcast %mul3A_149 : f32 to vector<16xf32>
        %mul3A_151 = arith.mulf %get3A_148, %mul3A_150 : vector<16xf32>
        %sub3A = arith.subf %mul3A_151, %get3A_148 : vector<16xf32>
        %sub3A_152 = arith.subf %mul3A_151, %sub3A : vector<16xf32>
        %broadcast_in_dim3A = vector.shape_cast %add3A_71 : vector<16xi32> to vector<16x1xi32>
        %gather3A = vector.shape_cast %broadcast_in_dim3A : vector<16x1xi32> to vector<16xi32>
        %gather3A_153 = tpu.dynamic_gather %sub3A_152[%gather3A] in [0] : vector<16xf32>, vector<16xi32> -> vector<16xf32>
        %broadcast_in_dim3A_154 = vector.shape_cast %add3A_77 : vector<16xi32> to vector<16x1xi32>
        %gather3A_155 = vector.shape_cast %broadcast_in_dim3A_154 : vector<16x1xi32> to vector<16xi32>
        %gather3A_156 = tpu.dynamic_gather %sub3A_152[%gather3A_155] in [0] : vector<16xf32>, vector<16xi32> -> vector<16xf32>
        %broadcast_in_dim3A_157 = vector.shape_cast %add3A_83 : vector<16xi32> to vector<16x1xi32>
        %gather3A_158 = vector.shape_cast %broadcast_in_dim3A_157 : vector<16x1xi32> to vector<16xi32>
        %gather3A_159 = tpu.dynamic_gather %sub3A_152[%gather3A_158] in [0] : vector<16xf32>, vector<16xi32> -> vector<16xf32>
        %broadcast_in_dim3A_160 = vector.shape_cast %add3A_89 : vector<16xi32> to vector<16x1xi32>
        %gather3A_161 = vector.shape_cast %broadcast_in_dim3A_160 : vector<16x1xi32> to vector<16xi32>
        %gather3A_162 = tpu.dynamic_gather %sub3A_152[%gather3A_161] in [0] : vector<16xf32>, vector<16xi32> -> vector<16xf32>
        %broadcast_in_dim3A_163 = vector.shape_cast %add3A_95 : vector<16xi32> to vector<16x1xi32>
        %gather3A_164 = vector.shape_cast %broadcast_in_dim3A_163 : vector<16x1xi32> to vector<16xi32>
        %gather3A_165 = tpu.dynamic_gather %sub3A_152[%gather3A_164] in [0] : vector<16xf32>, vector<16xi32> -> vector<16xf32>
        %broadcast_in_dim3A_166 = vector.shape_cast %add3A_101 : vector<16xi32> to vector<16x1xi32>
        %gather3A_167 = vector.shape_cast %broadcast_in_dim3A_166 : vector<16x1xi32> to vector<16xi32>
        %gather3A_168 = tpu.dynamic_gather %sub3A_152[%gather3A_167] in [0] : vector<16xf32>, vector<16xi32> -> vector<16xf32>
        %broadcast_in_dim3A_169 = vector.shape_cast %add3A_107 : vector<16xi32> to vector<16x1xi32>
        %gather3A_170 = vector.shape_cast %broadcast_in_dim3A_169 : vector<16x1xi32> to vector<16xi32>
        %gather3A_171 = tpu.dynamic_gather %sub3A_152[%gather3A_170] in [0] : vector<16xf32>, vector<16xi32> -> vector<16xf32>
        %broadcast_in_dim3A_172 = vector.shape_cast %add3A_113 : vector<16xi32> to vector<16x1xi32>
        %gather3A_173 = vector.shape_cast %broadcast_in_dim3A_172 : vector<16x1xi32> to vector<16xi32>
        %gather3A_174 = tpu.dynamic_gather %sub3A_152[%gather3A_173] in [0] : vector<16xf32>, vector<16xi32> -> vector<16xf32>
        %broadcast_in_dim3A_175 = vector.shape_cast %add3A_119 : vector<16xi32> to vector<16x1xi32>
        %gather3A_176 = vector.shape_cast %broadcast_in_dim3A_175 : vector<16x1xi32> to vector<16xi32>
        %gather3A_177 = tpu.dynamic_gather %sub3A_152[%gather3A_176] in [0] : vector<16xf32>, vector<16xi32> -> vector<16xf32>
        %broadcast_in_dim3A_178 = vector.shape_cast %add3A_125 : vector<16xi32> to vector<16x1xi32>
        %gather3A_179 = vector.shape_cast %broadcast_in_dim3A_178 : vector<16x1xi32> to vector<16xi32>
        %gather3A_180 = tpu.dynamic_gather %sub3A_152[%gather3A_179] in [0] : vector<16xf32>, vector<16xi32> -> vector<16xf32>
        %mul3A_181 = arith.mulf %gather3A_153, %get3A_2 : vector<16xf32>
        %mul3A_182 = arith.mulf %gather3A_156, %get3A_5 : vector<16xf32>
        %mul3A_183 = arith.mulf %gather3A_159, %get3A_8 : vector<16xf32>
        %mul3A_184 = arith.mulf %gather3A_162, %get3A_11 : vector<16xf32>
        %mul3A_185 = arith.mulf %gather3A_165, %get3A_14 : vector<16xf32>
        %mul3A_186 = arith.mulf %gather3A_168, %get3A_17 : vector<16xf32>
        %mul3A_187 = arith.mulf %gather3A_171, %get3A_20 : vector<16xf32>
        %mul3A_188 = arith.mulf %gather3A_174, %get3A_23 : vector<16xf32>
        %mul3A_189 = arith.mulf %gather3A_177, %get3A_26 : vector<16xf32>
        %mul3A_190 = arith.mulf %gather3A_180, %get3A_29 : vector<16xf32>
        %add3A_191 = arith.addf %mul3A_181, %mul3A_182 : vector<16xf32>
        %add3A_192 = arith.addf %mul3A_183, %mul3A_184 : vector<16xf32>
        %add3A_193 = arith.addf %mul3A_185, %mul3A_186 : vector<16xf32>
        %add3A_194 = arith.addf %mul3A_187, %mul3A_188 : vector<16xf32>
        %add3A_195 = arith.addf %mul3A_189, %mul3A_190 : vector<16xf32>
        %add3A_196 = arith.addf %add3A_191, %add3A_192 : vector<16xf32>
        %add3A_197 = arith.addf %add3A_193, %add3A_194 : vector<16xf32>
        %add3A_198 = arith.addf %add3A_196, %add3A_197 : vector<16xf32>
        %add3A_199 = arith.addf %add3A_198, %add3A_195 : vector<16xf32>
        %add3A_200 = arith.addf %get3A_62, %add3A_199 : vector<16xf32>
        %mul3A_201 = arith.mulf %gather3A_153, %get3A_32 : vector<16xf32>
        %mul3A_202 = arith.mulf %gather3A_156, %get3A_35 : vector<16xf32>
        %mul3A_203 = arith.mulf %gather3A_159, %get3A_38 : vector<16xf32>
        %mul3A_204 = arith.mulf %gather3A_162, %get3A_41 : vector<16xf32>
        %mul3A_205 = arith.mulf %gather3A_165, %get3A_44 : vector<16xf32>
        %mul3A_206 = arith.mulf %gather3A_168, %get3A_47 : vector<16xf32>
        %mul3A_207 = arith.mulf %gather3A_171, %get3A_50 : vector<16xf32>
        %mul3A_208 = arith.mulf %gather3A_174, %get3A_53 : vector<16xf32>
        %mul3A_209 = arith.mulf %gather3A_177, %get3A_56 : vector<16xf32>
        %mul3A_210 = arith.mulf %gather3A_180, %get3A_59 : vector<16xf32>
        %add3A_211 = arith.addf %mul3A_201, %mul3A_202 : vector<16xf32>
        %add3A_212 = arith.addf %mul3A_203, %mul3A_204 : vector<16xf32>
        %add3A_213 = arith.addf %mul3A_205, %mul3A_206 : vector<16xf32>
        %add3A_214 = arith.addf %mul3A_207, %mul3A_208 : vector<16xf32>
        %add3A_215 = arith.addf %mul3A_209, %mul3A_210 : vector<16xf32>
        %add3A_216 = arith.addf %add3A_211, %add3A_212 : vector<16xf32>
        %add3A_217 = arith.addf %add3A_213, %add3A_214 : vector<16xf32>
        %add3A_218 = arith.addf %add3A_216, %add3A_217 : vector<16xf32>
        %add3A_219 = arith.addf %add3A_218, %add3A_215 : vector<16xf32>
        %add3A_220 = arith.addf %get3A_65, %add3A_219 : vector<16xf32>
        %max3A = arith.maximumf %add3A_200, %add3A_220 : vector<16xf32>
        %xor3A = arith.constant 8 : i32
        %xor3A_221 = vector.broadcast %xor3A : i32 to vector<16xi32>
        %xor3A_222 = arith.xori %iota3A, %xor3A_221 : vector<16xi32>
        %broadcast_in_dim3A_223 = vector.shape_cast %xor3A_222 : vector<16xi32> to vector<16x1xi32>
        %gather3A_224 = vector.shape_cast %broadcast_in_dim3A_223 : vector<16x1xi32> to vector<16xi32>
        %gather3A_225 = tpu.dynamic_gather %max3A[%gather3A_224] in [0] : vector<16xf32>, vector<16xi32> -> vector<16xf32>
        %max3A_226 = arith.maximumf %max3A, %gather3A_225 : vector<16xf32>
        %xor3A_227 = arith.constant 4 : i32
        %xor3A_228 = vector.broadcast %xor3A_227 : i32 to vector<16xi32>
        %xor3A_229 = arith.xori %iota3A, %xor3A_228 : vector<16xi32>
        %broadcast_in_dim3A_230 = vector.shape_cast %xor3A_229 : vector<16xi32> to vector<16x1xi32>
        %gather3A_231 = vector.shape_cast %broadcast_in_dim3A_230 : vector<16x1xi32> to vector<16xi32>
        %gather3A_232 = tpu.dynamic_gather %max3A_226[%gather3A_231] in [0] : vector<16xf32>, vector<16xi32> -> vector<16xf32>
        %max3A_233 = arith.maximumf %max3A_226, %gather3A_232 : vector<16xf32>
        %xor3A_234 = arith.constant 2 : i32
        %xor3A_235 = vector.broadcast %xor3A_234 : i32 to vector<16xi32>
        %xor3A_236 = arith.xori %iota3A, %xor3A_235 : vector<16xi32>
        %broadcast_in_dim3A_237 = vector.shape_cast %xor3A_236 : vector<16xi32> to vector<16x1xi32>
        %gather3A_238 = vector.shape_cast %broadcast_in_dim3A_237 : vector<16x1xi32> to vector<16xi32>
        %gather3A_239 = tpu.dynamic_gather %max3A_233[%gather3A_238] in [0] : vector<16xf32>, vector<16xi32> -> vector<16xf32>
        %max3A_240 = arith.maximumf %max3A_233, %gather3A_239 : vector<16xf32>
        %xor3A_241 = arith.constant 1 : i32
        %xor3A_242 = vector.broadcast %xor3A_241 : i32 to vector<16xi32>
        %xor3A_243 = arith.xori %iota3A, %xor3A_242 : vector<16xi32>
        %broadcast_in_dim3A_244 = vector.shape_cast %xor3A_243 : vector<16xi32> to vector<16x1xi32>
        %gather3A_245 = vector.shape_cast %broadcast_in_dim3A_244 : vector<16x1xi32> to vector<16xi32>
        %gather3A_246 = tpu.dynamic_gather %max3A_240[%gather3A_245] in [0] : vector<16xf32>, vector<16xi32> -> vector<16xf32>
        %max3A_247 = arith.maximumf %max3A_240, %gather3A_246 : vector<16xf32>
        %eq3A = arith.cmpf oeq, %add3A_200, %max3A_247 : vector<16xf32>
        %jit3A = arith.constant 64 : i32
        %broadcast_in_dim3A_248 = vector.broadcast %jit3A : i32 to vector<16xi32>
        %select_n3A = arith.select %eq3A, %iota3A, %broadcast_in_dim3A_248 : vector<16xi1>, vector<16xi32>
        %eq3A_249 = arith.cmpf oeq, %add3A_220, %max3A_247 : vector<16xf32>
        %add3A_250 = arith.constant 16 : i32
        %add3A_251 = vector.broadcast %add3A_250 : i32 to vector<16xi32>
        %add3A_252 = arith.addi %iota3A, %add3A_251 : vector<16xi32>
        %jit3A_253 = arith.constant 64 : i32
        %broadcast_in_dim3A_254 = vector.broadcast %jit3A_253 : i32 to vector<16xi32>
        %select_n3A_255 = arith.select %eq3A_249, %add3A_252, %broadcast_in_dim3A_254 : vector<16xi1>, vector<16xi32>
        %min3A = arith.minsi %select_n3A, %select_n3A_255 : vector<16xi32>
        %xor3A_256 = arith.constant 8 : i32
        %xor3A_257 = vector.broadcast %xor3A_256 : i32 to vector<16xi32>
        %xor3A_258 = arith.xori %iota3A, %xor3A_257 : vector<16xi32>
        %broadcast_in_dim3A_259 = vector.shape_cast %xor3A_258 : vector<16xi32> to vector<16x1xi32>
        %gather3A_260 = vector.shape_cast %broadcast_in_dim3A_259 : vector<16x1xi32> to vector<16xi32>
        %gather3A_261 = tpu.dynamic_gather %min3A[%gather3A_260] in [0] : vector<16xi32>, vector<16xi32> -> vector<16xi32>
        %min3A_262 = arith.minsi %min3A, %gather3A_261 : vector<16xi32>
        %xor3A_263 = arith.constant 4 : i32
        %xor3A_264 = vector.broadcast %xor3A_263 : i32 to vector<16xi32>
        %xor3A_265 = arith.xori %iota3A, %xor3A_264 : vector<16xi32>
        %broadcast_in_dim3A_266 = vector.shape_cast %xor3A_265 : vector<16xi32> to vector<16x1xi32>
        %gather3A_267 = vector.shape_cast %broadcast_in_dim3A_266 : vector<16x1xi32> to vector<16xi32>
        %gather3A_268 = tpu.dynamic_gather %min3A_262[%gather3A_267] in [0] : vector<16xi32>, vector<16xi32> -> vector<16xi32>
        %min3A_269 = arith.minsi %min3A_262, %gather3A_268 : vector<16xi32>
        %xor3A_270 = arith.constant 2 : i32
        %xor3A_271 = vector.broadcast %xor3A_270 : i32 to vector<16xi32>
        %xor3A_272 = arith.xori %iota3A, %xor3A_271 : vector<16xi32>
        %broadcast_in_dim3A_273 = vector.shape_cast %xor3A_272 : vector<16xi32> to vector<16x1xi32>
        %gather3A_274 = vector.shape_cast %broadcast_in_dim3A_273 : vector<16x1xi32> to vector<16xi32>
        %gather3A_275 = tpu.dynamic_gather %min3A_269[%gather3A_274] in [0] : vector<16xi32>, vector<16xi32> -> vector<16xi32>
        %min3A_276 = arith.minsi %min3A_269, %gather3A_275 : vector<16xi32>
        %xor3A_277 = arith.constant 1 : i32
        %xor3A_278 = vector.broadcast %xor3A_277 : i32 to vector<16xi32>
        %xor3A_279 = arith.xori %iota3A, %xor3A_278 : vector<16xi32>
        %broadcast_in_dim3A_280 = vector.shape_cast %xor3A_279 : vector<16xi32> to vector<16x1xi32>
        %gather3A_281 = vector.shape_cast %broadcast_in_dim3A_280 : vector<16x1xi32> to vector<16xi32>
        %gather3A_282 = tpu.dynamic_gather %min3A_276[%gather3A_281] in [0] : vector<16xi32>, vector<16xi32> -> vector<16xi32>
        %min3A_283 = arith.minsi %min3A_276, %gather3A_282 : vector<16xi32>
        %slice3A = vector.extract_strided_slice %min3A_283 {offsets = [0], sizes = [1], strides = [1]} : vector<16xi32> to vector<1xi32>
        %squeeze3A = vector.extract %slice3A[0] : i32 from vector<1xi32>
        %mul3A_284 = arith.constant 10 : i32
        %mul3A_285 = arith.muli %squeeze3A, %mul3A_284 : i32
        %get3A_286 = arith.index_cast %mul3A_285 : i32 to index
        %get3A_287 = tpu.vector_load %arg10[%get3A_286] {strides = array<i32>} : memref<336xf32, #tpu.memory_space<vmem>>, vector<16xf32>,
        %get3A_288 = vector.shape_cast %get3A_287 : vector<16xf32> to vector<16xf32>
        %mul3A_289 = arith.constant 10 : i32
        %mul3A_290 = arith.muli %scan3A_143, %mul3A_289 : i32
        %swap3A = arith.index_cast %mul3A_290 : i32 to index
        %swap3A_291 = tpu.vector_load %arg8[%swap3A] {strides = array<i32>} : memref<10256xf32, #tpu.memory_space<vmem>>, vector<16xf32>,
        %swap3A_292 = vector.shape_cast %swap3A_291 : vector<16xf32> to vector<16xf32>
        %swap3A_293 = vector.shape_cast %get3A_288 : vector<16xf32> to vector<16xf32>
        tpu.vector_store %arg8[%swap3A], %swap3A_293 {strides = array<i32>} : memref<10256xf32, #tpu.memory_space<vmem>>, vector<16xf32>,
        %scan3A_294 = arith.constant 1 : i32
        %scan3A_295 = arith.addi %scan3A_143, %scan3A_294 : i32
        %mul3A_296 = arith.constant 10 : i32
        %mul3A_297 = arith.muli %scan3A_295, %mul3A_296 : i32
        %get3A_298 = arith.index_cast %mul3A_297 : i32 to index
        %get3A_299 = tpu.vector_load %arg7[%get3A_298] {strides = array<i32>} : memref<10256xf32, #tpu.memory_space<vmem>>, vector<16xf32>,
        %get3A_300 = vector.shape_cast %get3A_299 : vector<16xf32> to vector<16xf32>
        %mul3A_301 = arith.constant 6.553700e+04 : f32
        %mul3A_302 = vector.broadcast %mul3A_301 : f32 to vector<16xf32>
        %mul3A_303 = arith.mulf %get3A_300, %mul3A_302 : vector<16xf32>
        %sub3A_304 = arith.subf %mul3A_303, %get3A_300 : vector<16xf32>
        %sub3A_305 = arith.subf %mul3A_303, %sub3A_304 : vector<16xf32>
        %broadcast_in_dim3A_306 = vector.shape_cast %add3A_71 : vector<16xi32> to vector<16x1xi32>
        %gather3A_307 = vector.shape_cast %broadcast_in_dim3A_306 : vector<16x1xi32> to vector<16xi32>
        %gather3A_308 = tpu.dynamic_gather %sub3A_305[%gather3A_307] in [0] : vector<16xf32>, vector<16xi32> -> vector<16xf32>
        %broadcast_in_dim3A_309 = vector.shape_cast %add3A_77 : vector<16xi32> to vector<16x1xi32>
        %gather3A_310 = vector.shape_cast %broadcast_in_dim3A_309 : vector<16x1xi32> to vector<16xi32>
        %gather3A_311 = tpu.dynamic_gather %sub3A_305[%gather3A_310] in [0] : vector<16xf32>, vector<16xi32> -> vector<16xf32>
        %broadcast_in_dim3A_312 = vector.shape_cast %add3A_83 : vector<16xi32> to vector<16x1xi32>
        %gather3A_313 = vector.shape_cast %broadcast_in_dim3A_312 : vector<16x1xi32> to vector<16xi32>
        %gather3A_314 = tpu.dynamic_gather %sub3A_305[%gather3A_313] in [0] : vector<16xf32>, vector<16xi32> -> vector<16xf32>
        %broadcast_in_dim3A_315 = vector.shape_cast %add3A_89 : vector<16xi32> to vector<16x1xi32>
        %gather3A_316 = vector.shape_cast %broadcast_in_dim3A_315 : vector<16x1xi32> to vector<16xi32>
        %gather3A_317 = tpu.dynamic_gather %sub3A_305[%gather3A_316] in [0] : vector<16xf32>, vector<16xi32> -> vector<16xf32>
        %broadcast_in_dim3A_318 = vector.shape_cast %add3A_95 : vector<16xi32> to vector<16x1xi32>
        %gather3A_319 = vector.shape_cast %broadcast_in_dim3A_318 : vector<16x1xi32> to vector<16xi32>
        %gather3A_320 = tpu.dynamic_gather %sub3A_305[%gather3A_319] in [0] : vector<16xf32>, vector<16xi32> -> vector<16xf32>
        %broadcast_in_dim3A_321 = vector.shape_cast %add3A_101 : vector<16xi32> to vector<16x1xi32>
        %gather3A_322 = vector.shape_cast %broadcast_in_dim3A_321 : vector<16x1xi32> to vector<16xi32>
        %gather3A_323 = tpu.dynamic_gather %sub3A_305[%gather3A_322] in [0] : vector<16xf32>, vector<16xi32> -> vector<16xf32>
        %broadcast_in_dim3A_324 = vector.shape_cast %add3A_107 : vector<16xi32> to vector<16x1xi32>
        %gather3A_325 = vector.shape_cast %broadcast_in_dim3A_324 : vector<16x1xi32> to vector<16xi32>
        %gather3A_326 = tpu.dynamic_gather %sub3A_305[%gather3A_325] in [0] : vector<16xf32>, vector<16xi32> -> vector<16xf32>
        %broadcast_in_dim3A_327 = vector.shape_cast %add3A_113 : vector<16xi32> to vector<16x1xi32>
        %gather3A_328 = vector.shape_cast %broadcast_in_dim3A_327 : vector<16x1xi32> to vector<16xi32>
        %gather3A_329 = tpu.dynamic_gather %sub3A_305[%gather3A_328] in [0] : vector<16xf32>, vector<16xi32> -> vector<16xf32>
        %broadcast_in_dim3A_330 = vector.shape_cast %add3A_119 : vector<16xi32> to vector<16x1xi32>
        %gather3A_331 = vector.shape_cast %broadcast_in_dim3A_330 : vector<16x1xi32> to vector<16xi32>
        %gather3A_332 = tpu.dynamic_gather %sub3A_305[%gather3A_331] in [0] : vector<16xf32>, vector<16xi32> -> vector<16xf32>
        %broadcast_in_dim3A_333 = vector.shape_cast %add3A_125 : vector<16xi32> to vector<16x1xi32>
        %gather3A_334 = vector.shape_cast %broadcast_in_dim3A_333 : vector<16x1xi32> to vector<16xi32>
        %gather3A_335 = tpu.dynamic_gather %sub3A_305[%gather3A_334] in [0] : vector<16xf32>, vector<16xi32> -> vector<16xf32>
        %mul3A_336 = arith.mulf %gather3A_308, %get3A_2 : vector<16xf32>
        %mul3A_337 = arith.mulf %gather3A_311, %get3A_5 : vector<16xf32>
        %mul3A_338 = arith.mulf %gather3A_314, %get3A_8 : vector<16xf32>
        %mul3A_339 = arith.mulf %gather3A_317, %get3A_11 : vector<16xf32>
        %mul3A_340 = arith.mulf %gather3A_320, %get3A_14 : vector<16xf32>
        %mul3A_341 = arith.mulf %gather3A_323, %get3A_17 : vector<16xf32>
        %mul3A_342 = arith.mulf %gather3A_326, %get3A_20 : vector<16xf32>
        %mul3A_343 = arith.mulf %gather3A_329, %get3A_23 : vector<16xf32>
        %mul3A_344 = arith.mulf %gather3A_332, %get3A_26 : vector<16xf32>
        %mul3A_345 = arith.mulf %gather3A_335, %get3A_29 : vector<16xf32>
        %add3A_346 = arith.addf %mul3A_336, %mul3A_337 : vector<16xf32>
        %add3A_347 = arith.addf %mul3A_338, %mul3A_339 : vector<16xf32>
        %add3A_348 = arith.addf %mul3A_340, %mul3A_341 : vector<16xf32>
        %add3A_349 = arith.addf %mul3A_342, %mul3A_343 : vector<16xf32>
        %add3A_350 = arith.addf %mul3A_344, %mul3A_345 : vector<16xf32>
        %add3A_351 = arith.addf %add3A_346, %add3A_347 : vector<16xf32>
        %add3A_352 = arith.addf %add3A_348, %add3A_349 : vector<16xf32>
        %add3A_353 = arith.addf %add3A_351, %add3A_352 : vector<16xf32>
        %add3A_354 = arith.addf %add3A_353, %add3A_350 : vector<16xf32>
        %add3A_355 = arith.addf %get3A_62, %add3A_354 : vector<16xf32>
        %mul3A_356 = arith.mulf %gather3A_308, %get3A_32 : vector<16xf32>
        %mul3A_357 = arith.mulf %gather3A_311, %get3A_35 : vector<16xf32>
        %mul3A_358 = arith.mulf %gather3A_314, %get3A_38 : vector<16xf32>
        %mul3A_359 = arith.mulf %gather3A_317, %get3A_41 : vector<16xf32>
        %mul3A_360 = arith.mulf %gather3A_320, %get3A_44 : vector<16xf32>
        %mul3A_361 = arith.mulf %gather3A_323, %get3A_47 : vector<16xf32>
        %mul3A_362 = arith.mulf %gather3A_326, %get3A_50 : vector<16xf32>
        %mul3A_363 = arith.mulf %gather3A_329, %get3A_53 : vector<16xf32>
        %mul3A_364 = arith.mulf %gather3A_332, %get3A_56 : vector<16xf32>
        %mul3A_365 = arith.mulf %gather3A_335, %get3A_59 : vector<16xf32>
        %add3A_366 = arith.addf %mul3A_356, %mul3A_357 : vector<16xf32>
        %add3A_367 = arith.addf %mul3A_358, %mul3A_359 : vector<16xf32>
        %add3A_368 = arith.addf %mul3A_360, %mul3A_361 : vector<16xf32>
        %add3A_369 = arith.addf %mul3A_362, %mul3A_363 : vector<16xf32>
        %add3A_370 = arith.addf %mul3A_364, %mul3A_365 : vector<16xf32>
        %add3A_371 = arith.addf %add3A_366, %add3A_367 : vector<16xf32>
        %add3A_372 = arith.addf %add3A_368, %add3A_369 : vector<16xf32>
        %add3A_373 = arith.addf %add3A_371, %add3A_372 : vector<16xf32>
        %add3A_374 = arith.addf %add3A_373, %add3A_370 : vector<16xf32>
        %add3A_375 = arith.addf %get3A_65, %add3A_374 : vector<16xf32>
        %max3A_376 = arith.maximumf %add3A_355, %add3A_375 : vector<16xf32>
        %xor3A_377 = arith.constant 8 : i32
        %xor3A_378 = vector.broadcast %xor3A_377 : i32 to vector<16xi32>
        %xor3A_379 = arith.xori %iota3A, %xor3A_378 : vector<16xi32>
        %broadcast_in_dim3A_380 = vector.shape_cast %xor3A_379 : vector<16xi32> to vector<16x1xi32>
        %gather3A_381 = vector.shape_cast %broadcast_in_dim3A_380 : vector<16x1xi32> to vector<16xi32>
        %gather3A_382 = tpu.dynamic_gather %max3A_376[%gather3A_381] in [0] : vector<16xf32>, vector<16xi32> -> vector<16xf32>
        %max3A_383 = arith.maximumf %max3A_376, %gather3A_382 : vector<16xf32>
        %xor3A_384 = arith.constant 4 : i32
        %xor3A_385 = vector.broadcast %xor3A_384 : i32 to vector<16xi32>
        %xor3A_386 = arith.xori %iota3A, %xor3A_385 : vector<16xi32>
        %broadcast_in_dim3A_387 = vector.shape_cast %xor3A_386 : vector<16xi32> to vector<16x1xi32>
        %gather3A_388 = vector.shape_cast %broadcast_in_dim3A_387 : vector<16x1xi32> to vector<16xi32>
        %gather3A_389 = tpu.dynamic_gather %max3A_383[%gather3A_388] in [0] : vector<16xf32>, vector<16xi32> -> vector<16xf32>
        %max3A_390 = arith.maximumf %max3A_383, %gather3A_389 : vector<16xf32>
        %xor3A_391 = arith.constant 2 : i32
        %xor3A_392 = vector.broadcast %xor3A_391 : i32 to vector<16xi32>
        %xor3A_393 = arith.xori %iota3A, %xor3A_392 : vector<16xi32>
        %broadcast_in_dim3A_394 = vector.shape_cast %xor3A_393 : vector<16xi32> to vector<16x1xi32>
        %gather3A_395 = vector.shape_cast %broadcast_in_dim3A_394 : vector<16x1xi32> to vector<16xi32>
        %gather3A_396 = tpu.dynamic_gather %max3A_390[%gather3A_395] in [0] : vector<16xf32>, vector<16xi32> -> vector<16xf32>
        %max3A_397 = arith.maximumf %max3A_390, %gather3A_396 : vector<16xf32>
        %xor3A_398 = arith.constant 1 : i32
        %xor3A_399 = vector.broadcast %xor3A_398 : i32 to vector<16xi32>
        %xor3A_400 = arith.xori %iota3A, %xor3A_399 : vector<16xi32>
        %broadcast_in_dim3A_401 = vector.shape_cast %xor3A_400 : vector<16xi32> to vector<16x1xi32>
        %gather3A_402 = vector.shape_cast %broadcast_in_dim3A_401 : vector<16x1xi32> to vector<16xi32>
        %gather3A_403 = tpu.dynamic_gather %max3A_397[%gather3A_402] in [0] : vector<16xf32>, vector<16xi32> -> vector<16xf32>
        %max3A_404 = arith.maximumf %max3A_397, %gather3A_403 : vector<16xf32>
        %eq3A_405 = arith.cmpf oeq, %add3A_355, %max3A_404 : vector<16xf32>
        %jit3A_406 = arith.constant 64 : i32
        %broadcast_in_dim3A_407 = vector.broadcast %jit3A_406 : i32 to vector<16xi32>
        %select_n3A_408 = arith.select %eq3A_405, %iota3A, %broadcast_in_dim3A_407 : vector<16xi1>, vector<16xi32>
        %eq3A_409 = arith.cmpf oeq, %add3A_375, %max3A_404 : vector<16xf32>
        %add3A_410 = arith.constant 16 : i32
        %add3A_411 = vector.broadcast %add3A_410 : i32 to vector<16xi32>
        %add3A_412 = arith.addi %iota3A, %add3A_411 : vector<16xi32>
        %jit3A_413 = arith.constant 64 : i32
        %broadcast_in_dim3A_414 = vector.broadcast %jit3A_413 : i32 to vector<16xi32>
        %select_n3A_415 = arith.select %eq3A_409, %add3A_412, %broadcast_in_dim3A_414 : vector<16xi1>, vector<16xi32>
        %min3A_416 = arith.minsi %select_n3A_408, %select_n3A_415 : vector<16xi32>
        %xor3A_417 = arith.constant 8 : i32
        %xor3A_418 = vector.broadcast %xor3A_417 : i32 to vector<16xi32>
        %xor3A_419 = arith.xori %iota3A, %xor3A_418 : vector<16xi32>
        %broadcast_in_dim3A_420 = vector.shape_cast %xor3A_419 : vector<16xi32> to vector<16x1xi32>
        %gather3A_421 = vector.shape_cast %broadcast_in_dim3A_420 : vector<16x1xi32> to vector<16xi32>
        %gather3A_422 = tpu.dynamic_gather %min3A_416[%gather3A_421] in [0] : vector<16xi32>, vector<16xi32> -> vector<16xi32>
        %min3A_423 = arith.minsi %min3A_416, %gather3A_422 : vector<16xi32>
        %xor3A_424 = arith.constant 4 : i32
        %xor3A_425 = vector.broadcast %xor3A_424 : i32 to vector<16xi32>
        %xor3A_426 = arith.xori %iota3A, %xor3A_425 : vector<16xi32>
        %broadcast_in_dim3A_427 = vector.shape_cast %xor3A_426 : vector<16xi32> to vector<16x1xi32>
        %gather3A_428 = vector.shape_cast %broadcast_in_dim3A_427 : vector<16x1xi32> to vector<16xi32>
        %gather3A_429 = tpu.dynamic_gather %min3A_423[%gather3A_428] in [0] : vector<16xi32>, vector<16xi32> -> vector<16xi32>
        %min3A_430 = arith.minsi %min3A_423, %gather3A_429 : vector<16xi32>
        %xor3A_431 = arith.constant 2 : i32
        %xor3A_432 = vector.broadcast %xor3A_431 : i32 to vector<16xi32>
        %xor3A_433 = arith.xori %iota3A, %xor3A_432 : vector<16xi32>
        %broadcast_in_dim3A_434 = vector.shape_cast %xor3A_433 : vector<16xi32> to vector<16x1xi32>
        %gather3A_435 = vector.shape_cast %broadcast_in_dim3A_434 : vector<16x1xi32> to vector<16xi32>
        %gather3A_436 = tpu.dynamic_gather %min3A_430[%gather3A_435] in [0] : vector<16xi32>, vector<16xi32> -> vector<16xi32>
        %min3A_437 = arith.minsi %min3A_430, %gather3A_436 : vector<16xi32>
        %xor3A_438 = arith.constant 1 : i32
        %xor3A_439 = vector.broadcast %xor3A_438 : i32 to vector<16xi32>
        %xor3A_440 = arith.xori %iota3A, %xor3A_439 : vector<16xi32>
        %broadcast_in_dim3A_441 = vector.shape_cast %xor3A_440 : vector<16xi32> to vector<16x1xi32>
        %gather3A_442 = vector.shape_cast %broadcast_in_dim3A_441 : vector<16x1xi32> to vector<16xi32>
        %gather3A_443 = tpu.dynamic_gather %min3A_437[%gather3A_442] in [0] : vector<16xi32>, vector<16xi32> -> vector<16xi32>
        %min3A_444 = arith.minsi %min3A_437, %gather3A_443 : vector<16xi32>
        %slice3A_445 = vector.extract_strided_slice %min3A_444 {offsets = [0], sizes = [1], strides = [1]} : vector<16xi32> to vector<1xi32>
        %squeeze3A_446 = vector.extract %slice3A_445[0] : i32 from vector<1xi32>
        %mul3A_447 = arith.constant 10 : i32
        %mul3A_448 = arith.muli %squeeze3A_446, %mul3A_447 : i32
        %get3A_449 = arith.index_cast %mul3A_448 : i32 to index
        %get3A_450 = tpu.vector_load %arg10[%get3A_449] {strides = array<i32>} : memref<336xf32, #tpu.memory_space<vmem>>, vector<16xf32>,
        %get3A_451 = vector.shape_cast %get3A_450 : vector<16xf32> to vector<16xf32>
        %mul3A_452 = arith.constant 10 : i32
        %mul3A_453 = arith.muli %scan3A_295, %mul3A_452 : i32
        %swap3A_454 = arith.index_cast %mul3A_453 : i32 to index
        %swap3A_455 = tpu.vector_load %arg8[%swap3A_454] {strides = array<i32>} : memref<10256xf32, #tpu.memory_space<vmem>>, vector<16xf32>,
        %swap3A_456 = vector.shape_cast %swap3A_455 : vector<16xf32> to vector<16xf32>
        %swap3A_457 = vector.shape_cast %get3A_451 : vector<16xf32> to vector<16xf32>
        tpu.vector_store %arg8[%swap3A_454], %swap3A_457 {strides = array<i32>} : memref<10256xf32, #tpu.memory_space<vmem>>, vector<16xf32>,
        %scan3A_458 = arith.constant 2 : i32
        %scan3A_459 = arith.addi %scan3A_143, %scan3A_458 : i32
        %mul3A_460 = arith.constant 10 : i32
        %mul3A_461 = arith.muli %scan3A_459, %mul3A_460 : i32
        %get3A_462 = arith.index_cast %mul3A_461 : i32 to index
        %get3A_463 = tpu.vector_load %arg7[%get3A_462] {strides = array<i32>} : memref<10256xf32, #tpu.memory_space<vmem>>, vector<16xf32>,
        %get3A_464 = vector.shape_cast %get3A_463 : vector<16xf32> to vector<16xf32>
        %mul3A_465 = arith.constant 6.553700e+04 : f32
        %mul3A_466 = vector.broadcast %mul3A_465 : f32 to vector<16xf32>
        %mul3A_467 = arith.mulf %get3A_464, %mul3A_466 : vector<16xf32>
        %sub3A_468 = arith.subf %mul3A_467, %get3A_464 : vector<16xf32>
        %sub3A_469 = arith.subf %mul3A_467, %sub3A_468 : vector<16xf32>
        %broadcast_in_dim3A_470 = vector.shape_cast %add3A_71 : vector<16xi32> to vector<16x1xi32>
        %gather3A_471 = vector.shape_cast %broadcast_in_dim3A_470 : vector<16x1xi32> to vector<16xi32>
        %gather3A_472 = tpu.dynamic_gather %sub3A_469[%gather3A_471] in [0] : vector<16xf32>, vector<16xi32> -> vector<16xf32>
        %broadcast_in_dim3A_473 = vector.shape_cast %add3A_77 : vector<16xi32> to vector<16x1xi32>
        %gather3A_474 = vector.shape_cast %broadcast_in_dim3A_473 : vector<16x1xi32> to vector<16xi32>
        %gather3A_475 = tpu.dynamic_gather %sub3A_469[%gather3A_474] in [0] : vector<16xf32>, vector<16xi32> -> vector<16xf32>
        %broadcast_in_dim3A_476 = vector.shape_cast %add3A_83 : vector<16xi32> to vector<16x1xi32>
        %gather3A_477 = vector.shape_cast %broadcast_in_dim3A_476 : vector<16x1xi32> to vector<16xi32>
        %gather3A_478 = tpu.dynamic_gather %sub3A_469[%gather3A_477] in [0] : vector<16xf32>, vector<16xi32> -> vector<16xf32>
        %broadcast_in_dim3A_479 = vector.shape_cast %add3A_89 : vector<16xi32> to vector<16x1xi32>
        %gather3A_480 = vector.shape_cast %broadcast_in_dim3A_479 : vector<16x1xi32> to vector<16xi32>
        %gather3A_481 = tpu.dynamic_gather %sub3A_469[%gather3A_480] in [0] : vector<16xf32>, vector<16xi32> -> vector<16xf32>
        %broadcast_in_dim3A_482 = vector.shape_cast %add3A_95 : vector<16xi32> to vector<16x1xi32>
        %gather3A_483 = vector.shape_cast %broadcast_in_dim3A_482 : vector<16x1xi32> to vector<16xi32>
        %gather3A_484 = tpu.dynamic_gather %sub3A_469[%gather3A_483] in [0] : vector<16xf32>, vector<16xi32> -> vector<16xf32>
        %broadcast_in_dim3A_485 = vector.shape_cast %add3A_101 : vector<16xi32> to vector<16x1xi32>
        %gather3A_486 = vector.shape_cast %broadcast_in_dim3A_485 : vector<16x1xi32> to vector<16xi32>
        %gather3A_487 = tpu.dynamic_gather %sub3A_469[%gather3A_486] in [0] : vector<16xf32>, vector<16xi32> -> vector<16xf32>
        %broadcast_in_dim3A_488 = vector.shape_cast %add3A_107 : vector<16xi32> to vector<16x1xi32>
        %gather3A_489 = vector.shape_cast %broadcast_in_dim3A_488 : vector<16x1xi32> to vector<16xi32>
        %gather3A_490 = tpu.dynamic_gather %sub3A_469[%gather3A_489] in [0] : vector<16xf32>, vector<16xi32> -> vector<16xf32>
        %broadcast_in_dim3A_491 = vector.shape_cast %add3A_113 : vector<16xi32> to vector<16x1xi32>
        %gather3A_492 = vector.shape_cast %broadcast_in_dim3A_491 : vector<16x1xi32> to vector<16xi32>
        %gather3A_493 = tpu.dynamic_gather %sub3A_469[%gather3A_492] in [0] : vector<16xf32>, vector<16xi32> -> vector<16xf32>
        %broadcast_in_dim3A_494 = vector.shape_cast %add3A_119 : vector<16xi32> to vector<16x1xi32>
        %gather3A_495 = vector.shape_cast %broadcast_in_dim3A_494 : vector<16x1xi32> to vector<16xi32>
        %gather3A_496 = tpu.dynamic_gather %sub3A_469[%gather3A_495] in [0] : vector<16xf32>, vector<16xi32> -> vector<16xf32>
        %broadcast_in_dim3A_497 = vector.shape_cast %add3A_125 : vector<16xi32> to vector<16x1xi32>
        %gather3A_498 = vector.shape_cast %broadcast_in_dim3A_497 : vector<16x1xi32> to vector<16xi32>
        %gather3A_499 = tpu.dynamic_gather %sub3A_469[%gather3A_498] in [0] : vector<16xf32>, vector<16xi32> -> vector<16xf32>
        %mul3A_500 = arith.mulf %gather3A_472, %get3A_2 : vector<16xf32>
        %mul3A_501 = arith.mulf %gather3A_475, %get3A_5 : vector<16xf32>
        %mul3A_502 = arith.mulf %gather3A_478, %get3A_8 : vector<16xf32>
        %mul3A_503 = arith.mulf %gather3A_481, %get3A_11 : vector<16xf32>
        %mul3A_504 = arith.mulf %gather3A_484, %get3A_14 : vector<16xf32>
        %mul3A_505 = arith.mulf %gather3A_487, %get3A_17 : vector<16xf32>
        %mul3A_506 = arith.mulf %gather3A_490, %get3A_20 : vector<16xf32>
        %mul3A_507 = arith.mulf %gather3A_493, %get3A_23 : vector<16xf32>
        %mul3A_508 = arith.mulf %gather3A_496, %get3A_26 : vector<16xf32>
        %mul3A_509 = arith.mulf %gather3A_499, %get3A_29 : vector<16xf32>
        %add3A_510 = arith.addf %mul3A_500, %mul3A_501 : vector<16xf32>
        %add3A_511 = arith.addf %mul3A_502, %mul3A_503 : vector<16xf32>
        %add3A_512 = arith.addf %mul3A_504, %mul3A_505 : vector<16xf32>
        %add3A_513 = arith.addf %mul3A_506, %mul3A_507 : vector<16xf32>
        %add3A_514 = arith.addf %mul3A_508, %mul3A_509 : vector<16xf32>
        %add3A_515 = arith.addf %add3A_510, %add3A_511 : vector<16xf32>
        %add3A_516 = arith.addf %add3A_512, %add3A_513 : vector<16xf32>
        %add3A_517 = arith.addf %add3A_515, %add3A_516 : vector<16xf32>
        %add3A_518 = arith.addf %add3A_517, %add3A_514 : vector<16xf32>
        %add3A_519 = arith.addf %get3A_62, %add3A_518 : vector<16xf32>
        %mul3A_520 = arith.mulf %gather3A_472, %get3A_32 : vector<16xf32>
        %mul3A_521 = arith.mulf %gather3A_475, %get3A_35 : vector<16xf32>
        %mul3A_522 = arith.mulf %gather3A_478, %get3A_38 : vector<16xf32>
        %mul3A_523 = arith.mulf %gather3A_481, %get3A_41 : vector<16xf32>
        %mul3A_524 = arith.mulf %gather3A_484, %get3A_44 : vector<16xf32>
        %mul3A_525 = arith.mulf %gather3A_487, %get3A_47 : vector<16xf32>
        %mul3A_526 = arith.mulf %gather3A_490, %get3A_50 : vector<16xf32>
        %mul3A_527 = arith.mulf %gather3A_493, %get3A_53 : vector<16xf32>
        %mul3A_528 = arith.mulf %gather3A_496, %get3A_56 : vector<16xf32>
        %mul3A_529 = arith.mulf %gather3A_499, %get3A_59 : vector<16xf32>
        %add3A_530 = arith.addf %mul3A_520, %mul3A_521 : vector<16xf32>
        %add3A_531 = arith.addf %mul3A_522, %mul3A_523 : vector<16xf32>
        %add3A_532 = arith.addf %mul3A_524, %mul3A_525 : vector<16xf32>
        %add3A_533 = arith.addf %mul3A_526, %mul3A_527 : vector<16xf32>
        %add3A_534 = arith.addf %mul3A_528, %mul3A_529 : vector<16xf32>
        %add3A_535 = arith.addf %add3A_530, %add3A_531 : vector<16xf32>
        %add3A_536 = arith.addf %add3A_532, %add3A_533 : vector<16xf32>
        %add3A_537 = arith.addf %add3A_535, %add3A_536 : vector<16xf32>
        %add3A_538 = arith.addf %add3A_537, %add3A_534 : vector<16xf32>
        %add3A_539 = arith.addf %get3A_65, %add3A_538 : vector<16xf32>
        %max3A_540 = arith.maximumf %add3A_519, %add3A_539 : vector<16xf32>
        %xor3A_541 = arith.constant 8 : i32
        %xor3A_542 = vector.broadcast %xor3A_541 : i32 to vector<16xi32>
        %xor3A_543 = arith.xori %iota3A, %xor3A_542 : vector<16xi32>
        %broadcast_in_dim3A_544 = vector.shape_cast %xor3A_543 : vector<16xi32> to vector<16x1xi32>
        %gather3A_545 = vector.shape_cast %broadcast_in_dim3A_544 : vector<16x1xi32> to vector<16xi32>
        %gather3A_546 = tpu.dynamic_gather %max3A_540[%gather3A_545] in [0] : vector<16xf32>, vector<16xi32> -> vector<16xf32>
        %max3A_547 = arith.maximumf %max3A_540, %gather3A_546 : vector<16xf32>
        %xor3A_548 = arith.constant 4 : i32
        %xor3A_549 = vector.broadcast %xor3A_548 : i32 to vector<16xi32>
        %xor3A_550 = arith.xori %iota3A, %xor3A_549 : vector<16xi32>
        %broadcast_in_dim3A_551 = vector.shape_cast %xor3A_550 : vector<16xi32> to vector<16x1xi32>
        %gather3A_552 = vector.shape_cast %broadcast_in_dim3A_551 : vector<16x1xi32> to vector<16xi32>
        %gather3A_553 = tpu.dynamic_gather %max3A_547[%gather3A_552] in [0] : vector<16xf32>, vector<16xi32> -> vector<16xf32>
        %max3A_554 = arith.maximumf %max3A_547, %gather3A_553 : vector<16xf32>
        %xor3A_555 = arith.constant 2 : i32
        %xor3A_556 = vector.broadcast %xor3A_555 : i32 to vector<16xi32>
        %xor3A_557 = arith.xori %iota3A, %xor3A_556 : vector<16xi32>
        %broadcast_in_dim3A_558 = vector.shape_cast %xor3A_557 : vector<16xi32> to vector<16x1xi32>
        %gather3A_559 = vector.shape_cast %broadcast_in_dim3A_558 : vector<16x1xi32> to vector<16xi32>
        %gather3A_560 = tpu.dynamic_gather %max3A_554[%gather3A_559] in [0] : vector<16xf32>, vector<16xi32> -> vector<16xf32>
        %max3A_561 = arith.maximumf %max3A_554, %gather3A_560 : vector<16xf32>
        %xor3A_562 = arith.constant 1 : i32
        %xor3A_563 = vector.broadcast %xor3A_562 : i32 to vector<16xi32>
        %xor3A_564 = arith.xori %iota3A, %xor3A_563 : vector<16xi32>
        %broadcast_in_dim3A_565 = vector.shape_cast %xor3A_564 : vector<16xi32> to vector<16x1xi32>
        %gather3A_566 = vector.shape_cast %broadcast_in_dim3A_565 : vector<16x1xi32> to vector<16xi32>
        %gather3A_567 = tpu.dynamic_gather %max3A_561[%gather3A_566] in [0] : vector<16xf32>, vector<16xi32> -> vector<16xf32>
        %max3A_568 = arith.maximumf %max3A_561, %gather3A_567 : vector<16xf32>
        %eq3A_569 = arith.cmpf oeq, %add3A_519, %max3A_568 : vector<16xf32>
        %jit3A_570 = arith.constant 64 : i32
        %broadcast_in_dim3A_571 = vector.broadcast %jit3A_570 : i32 to vector<16xi32>
        %select_n3A_572 = arith.select %eq3A_569, %iota3A, %broadcast_in_dim3A_571 : vector<16xi1>, vector<16xi32>
        %eq3A_573 = arith.cmpf oeq, %add3A_539, %max3A_568 : vector<16xf32>
        %add3A_574 = arith.constant 16 : i32
        %add3A_575 = vector.broadcast %add3A_574 : i32 to vector<16xi32>
        %add3A_576 = arith.addi %iota3A, %add3A_575 : vector<16xi32>
        %jit3A_577 = arith.constant 64 : i32
        %broadcast_in_dim3A_578 = vector.broadcast %jit3A_577 : i32 to vector<16xi32>
        %select_n3A_579 = arith.select %eq3A_573, %add3A_576, %broadcast_in_dim3A_578 : vector<16xi1>, vector<16xi32>
        %min3A_580 = arith.minsi %select_n3A_572, %select_n3A_579 : vector<16xi32>
        %xor3A_581 = arith.constant 8 : i32
        %xor3A_582 = vector.broadcast %xor3A_581 : i32 to vector<16xi32>
        %xor3A_583 = arith.xori %iota3A, %xor3A_582 : vector<16xi32>
        %broadcast_in_dim3A_584 = vector.shape_cast %xor3A_583 : vector<16xi32> to vector<16x1xi32>
        %gather3A_585 = vector.shape_cast %broadcast_in_dim3A_584 : vector<16x1xi32> to vector<16xi32>
        %gather3A_586 = tpu.dynamic_gather %min3A_580[%gather3A_585] in [0] : vector<16xi32>, vector<16xi32> -> vector<16xi32>
        %min3A_587 = arith.minsi %min3A_580, %gather3A_586 : vector<16xi32>
        %xor3A_588 = arith.constant 4 : i32
        %xor3A_589 = vector.broadcast %xor3A_588 : i32 to vector<16xi32>
        %xor3A_590 = arith.xori %iota3A, %xor3A_589 : vector<16xi32>
        %broadcast_in_dim3A_591 = vector.shape_cast %xor3A_590 : vector<16xi32> to vector<16x1xi32>
        %gather3A_592 = vector.shape_cast %broadcast_in_dim3A_591 : vector<16x1xi32> to vector<16xi32>
        %gather3A_593 = tpu.dynamic_gather %min3A_587[%gather3A_592] in [0] : vector<16xi32>, vector<16xi32> -> vector<16xi32>
        %min3A_594 = arith.minsi %min3A_587, %gather3A_593 : vector<16xi32>
        %xor3A_595 = arith.constant 2 : i32
        %xor3A_596 = vector.broadcast %xor3A_595 : i32 to vector<16xi32>
        %xor3A_597 = arith.xori %iota3A, %xor3A_596 : vector<16xi32>
        %broadcast_in_dim3A_598 = vector.shape_cast %xor3A_597 : vector<16xi32> to vector<16x1xi32>
        %gather3A_599 = vector.shape_cast %broadcast_in_dim3A_598 : vector<16x1xi32> to vector<16xi32>
        %gather3A_600 = tpu.dynamic_gather %min3A_594[%gather3A_599] in [0] : vector<16xi32>, vector<16xi32> -> vector<16xi32>
        %min3A_601 = arith.minsi %min3A_594, %gather3A_600 : vector<16xi32>
        %xor3A_602 = arith.constant 1 : i32
        %xor3A_603 = vector.broadcast %xor3A_602 : i32 to vector<16xi32>
        %xor3A_604 = arith.xori %iota3A, %xor3A_603 : vector<16xi32>
        %broadcast_in_dim3A_605 = vector.shape_cast %xor3A_604 : vector<16xi32> to vector<16x1xi32>
        %gather3A_606 = vector.shape_cast %broadcast_in_dim3A_605 : vector<16x1xi32> to vector<16xi32>
        %gather3A_607 = tpu.dynamic_gather %min3A_601[%gather3A_606] in [0] : vector<16xi32>, vector<16xi32> -> vector<16xi32>
        %min3A_608 = arith.minsi %min3A_601, %gather3A_607 : vector<16xi32>
        %slice3A_609 = vector.extract_strided_slice %min3A_608 {offsets = [0], sizes = [1], strides = [1]} : vector<16xi32> to vector<1xi32>
        %squeeze3A_610 = vector.extract %slice3A_609[0] : i32 from vector<1xi32>
        %mul3A_611 = arith.constant 10 : i32
        %mul3A_612 = arith.muli %squeeze3A_610, %mul3A_611 : i32
        %get3A_613 = arith.index_cast %mul3A_612 : i32 to index
        %get3A_614 = tpu.vector_load %arg10[%get3A_613] {strides = array<i32>} : memref<336xf32, #tpu.memory_space<vmem>>, vector<16xf32>,
        %get3A_615 = vector.shape_cast %get3A_614 : vector<16xf32> to vector<16xf32>
        %mul3A_616 = arith.constant 10 : i32
        %mul3A_617 = arith.muli %scan3A_459, %mul3A_616 : i32
        %swap3A_618 = arith.index_cast %mul3A_617 : i32 to index
        %swap3A_619 = tpu.vector_load %arg8[%swap3A_618] {strides = array<i32>} : memref<10256xf32, #tpu.memory_space<vmem>>, vector<16xf32>,
        %swap3A_620 = vector.shape_cast %swap3A_619 : vector<16xf32> to vector<16xf32>
        %swap3A_621 = vector.shape_cast %get3A_615 : vector<16xf32> to vector<16xf32>
        tpu.vector_store %arg8[%swap3A_618], %swap3A_621 {strides = array<i32>} : memref<10256xf32, #tpu.memory_space<vmem>>, vector<16xf32>,
        %scan3A_622 = arith.constant 3 : i32
        %scan3A_623 = arith.addi %scan3A_143, %scan3A_622 : i32
        %mul3A_624 = arith.constant 10 : i32
        %mul3A_625 = arith.muli %scan3A_623, %mul3A_624 : i32
        %get3A_626 = arith.index_cast %mul3A_625 : i32 to index
        %get3A_627 = tpu.vector_load %arg7[%get3A_626] {strides = array<i32>} : memref<10256xf32, #tpu.memory_space<vmem>>, vector<16xf32>,
        %get3A_628 = vector.shape_cast %get3A_627 : vector<16xf32> to vector<16xf32>
        %mul3A_629 = arith.constant 6.553700e+04 : f32
        %mul3A_630 = vector.broadcast %mul3A_629 : f32 to vector<16xf32>
        %mul3A_631 = arith.mulf %get3A_628, %mul3A_630 : vector<16xf32>
        %sub3A_632 = arith.subf %mul3A_631, %get3A_628 : vector<16xf32>
        %sub3A_633 = arith.subf %mul3A_631, %sub3A_632 : vector<16xf32>
        %broadcast_in_dim3A_634 = vector.shape_cast %add3A_71 : vector<16xi32> to vector<16x1xi32>
        %gather3A_635 = vector.shape_cast %broadcast_in_dim3A_634 : vector<16x1xi32> to vector<16xi32>
        %gather3A_636 = tpu.dynamic_gather %sub3A_633[%gather3A_635] in [0] : vector<16xf32>, vector<16xi32> -> vector<16xf32>
        %broadcast_in_dim3A_637 = vector.shape_cast %add3A_77 : vector<16xi32> to vector<16x1xi32>
        %gather3A_638 = vector.shape_cast %broadcast_in_dim3A_637 : vector<16x1xi32> to vector<16xi32>
        %gather3A_639 = tpu.dynamic_gather %sub3A_633[%gather3A_638] in [0] : vector<16xf32>, vector<16xi32> -> vector<16xf32>
        %broadcast_in_dim3A_640 = vector.shape_cast %add3A_83 : vector<16xi32> to vector<16x1xi32>
        %gather3A_641 = vector.shape_cast %broadcast_in_dim3A_640 : vector<16x1xi32> to vector<16xi32>
        %gather3A_642 = tpu.dynamic_gather %sub3A_633[%gather3A_641] in [0] : vector<16xf32>, vector<16xi32> -> vector<16xf32>
        %broadcast_in_dim3A_643 = vector.shape_cast %add3A_89 : vector<16xi32> to vector<16x1xi32>
        %gather3A_644 = vector.shape_cast %broadcast_in_dim3A_643 : vector<16x1xi32> to vector<16xi32>
        %gather3A_645 = tpu.dynamic_gather %sub3A_633[%gather3A_644] in [0] : vector<16xf32>, vector<16xi32> -> vector<16xf32>
        %broadcast_in_dim3A_646 = vector.shape_cast %add3A_95 : vector<16xi32> to vector<16x1xi32>
        %gather3A_647 = vector.shape_cast %broadcast_in_dim3A_646 : vector<16x1xi32> to vector<16xi32>
        %gather3A_648 = tpu.dynamic_gather %sub3A_633[%gather3A_647] in [0] : vector<16xf32>, vector<16xi32> -> vector<16xf32>
        %broadcast_in_dim3A_649 = vector.shape_cast %add3A_101 : vector<16xi32> to vector<16x1xi32>
        %gather3A_650 = vector.shape_cast %broadcast_in_dim3A_649 : vector<16x1xi32> to vector<16xi32>
        %gather3A_651 = tpu.dynamic_gather %sub3A_633[%gather3A_650] in [0] : vector<16xf32>, vector<16xi32> -> vector<16xf32>
        %broadcast_in_dim3A_652 = vector.shape_cast %add3A_107 : vector<16xi32> to vector<16x1xi32>
        %gather3A_653 = vector.shape_cast %broadcast_in_dim3A_652 : vector<16x1xi32> to vector<16xi32>
        %gather3A_654 = tpu.dynamic_gather %sub3A_633[%gather3A_653] in [0] : vector<16xf32>, vector<16xi32> -> vector<16xf32>
        %broadcast_in_dim3A_655 = vector.shape_cast %add3A_113 : vector<16xi32> to vector<16x1xi32>
        %gather3A_656 = vector.shape_cast %broadcast_in_dim3A_655 : vector<16x1xi32> to vector<16xi32>
        %gather3A_657 = tpu.dynamic_gather %sub3A_633[%gather3A_656] in [0] : vector<16xf32>, vector<16xi32> -> vector<16xf32>
        %broadcast_in_dim3A_658 = vector.shape_cast %add3A_119 : vector<16xi32> to vector<16x1xi32>
        %gather3A_659 = vector.shape_cast %broadcast_in_dim3A_658 : vector<16x1xi32> to vector<16xi32>
        %gather3A_660 = tpu.dynamic_gather %sub3A_633[%gather3A_659] in [0] : vector<16xf32>, vector<16xi32> -> vector<16xf32>
        %broadcast_in_dim3A_661 = vector.shape_cast %add3A_125 : vector<16xi32> to vector<16x1xi32>
        %gather3A_662 = vector.shape_cast %broadcast_in_dim3A_661 : vector<16x1xi32> to vector<16xi32>
        %gather3A_663 = tpu.dynamic_gather %sub3A_633[%gather3A_662] in [0] : vector<16xf32>, vector<16xi32> -> vector<16xf32>
        %mul3A_664 = arith.mulf %gather3A_636, %get3A_2 : vector<16xf32>
        %mul3A_665 = arith.mulf %gather3A_639, %get3A_5 : vector<16xf32>
        %mul3A_666 = arith.mulf %gather3A_642, %get3A_8 : vector<16xf32>
        %mul3A_667 = arith.mulf %gather3A_645, %get3A_11 : vector<16xf32>
        %mul3A_668 = arith.mulf %gather3A_648, %get3A_14 : vector<16xf32>
        %mul3A_669 = arith.mulf %gather3A_651, %get3A_17 : vector<16xf32>
        %mul3A_670 = arith.mulf %gather3A_654, %get3A_20 : vector<16xf32>
        %mul3A_671 = arith.mulf %gather3A_657, %get3A_23 : vector<16xf32>
        %mul3A_672 = arith.mulf %gather3A_660, %get3A_26 : vector<16xf32>
        %mul3A_673 = arith.mulf %gather3A_663, %get3A_29 : vector<16xf32>
        %add3A_674 = arith.addf %mul3A_664, %mul3A_665 : vector<16xf32>
        %add3A_675 = arith.addf %mul3A_666, %mul3A_667 : vector<16xf32>
        %add3A_676 = arith.addf %mul3A_668, %mul3A_669 : vector<16xf32>
        %add3A_677 = arith.addf %mul3A_670, %mul3A_671 : vector<16xf32>
        %add3A_678 = arith.addf %mul3A_672, %mul3A_673 : vector<16xf32>
        %add3A_679 = arith.addf %add3A_674, %add3A_675 : vector<16xf32>
        %add3A_680 = arith.addf %add3A_676, %add3A_677 : vector<16xf32>
        %add3A_681 = arith.addf %add3A_679, %add3A_680 : vector<16xf32>
        %add3A_682 = arith.addf %add3A_681, %add3A_678 : vector<16xf32>
        %add3A_683 = arith.addf %get3A_62, %add3A_682 : vector<16xf32>
        %mul3A_684 = arith.mulf %gather3A_636, %get3A_32 : vector<16xf32>
        %mul3A_685 = arith.mulf %gather3A_639, %get3A_35 : vector<16xf32>
        %mul3A_686 = arith.mulf %gather3A_642, %get3A_38 : vector<16xf32>
        %mul3A_687 = arith.mulf %gather3A_645, %get3A_41 : vector<16xf32>
        %mul3A_688 = arith.mulf %gather3A_648, %get3A_44 : vector<16xf32>
        %mul3A_689 = arith.mulf %gather3A_651, %get3A_47 : vector<16xf32>
        %mul3A_690 = arith.mulf %gather3A_654, %get3A_50 : vector<16xf32>
        %mul3A_691 = arith.mulf %gather3A_657, %get3A_53 : vector<16xf32>
        %mul3A_692 = arith.mulf %gather3A_660, %get3A_56 : vector<16xf32>
        %mul3A_693 = arith.mulf %gather3A_663, %get3A_59 : vector<16xf32>
        %add3A_694 = arith.addf %mul3A_684, %mul3A_685 : vector<16xf32>
        %add3A_695 = arith.addf %mul3A_686, %mul3A_687 : vector<16xf32>
        %add3A_696 = arith.addf %mul3A_688, %mul3A_689 : vector<16xf32>
        %add3A_697 = arith.addf %mul3A_690, %mul3A_691 : vector<16xf32>
        %add3A_698 = arith.addf %mul3A_692, %mul3A_693 : vector<16xf32>
        %add3A_699 = arith.addf %add3A_694, %add3A_695 : vector<16xf32>
        %add3A_700 = arith.addf %add3A_696, %add3A_697 : vector<16xf32>
        %add3A_701 = arith.addf %add3A_699, %add3A_700 : vector<16xf32>
        %add3A_702 = arith.addf %add3A_701, %add3A_698 : vector<16xf32>
        %add3A_703 = arith.addf %get3A_65, %add3A_702 : vector<16xf32>
        %max3A_704 = arith.maximumf %add3A_683, %add3A_703 : vector<16xf32>
        %xor3A_705 = arith.constant 8 : i32
        %xor3A_706 = vector.broadcast %xor3A_705 : i32 to vector<16xi32>
        %xor3A_707 = arith.xori %iota3A, %xor3A_706 : vector<16xi32>
        %broadcast_in_dim3A_708 = vector.shape_cast %xor3A_707 : vector<16xi32> to vector<16x1xi32>
        %gather3A_709 = vector.shape_cast %broadcast_in_dim3A_708 : vector<16x1xi32> to vector<16xi32>
        %gather3A_710 = tpu.dynamic_gather %max3A_704[%gather3A_709] in [0] : vector<16xf32>, vector<16xi32> -> vector<16xf32>
        %max3A_711 = arith.maximumf %max3A_704, %gather3A_710 : vector<16xf32>
        %xor3A_712 = arith.constant 4 : i32
        %xor3A_713 = vector.broadcast %xor3A_712 : i32 to vector<16xi32>
        %xor3A_714 = arith.xori %iota3A, %xor3A_713 : vector<16xi32>
        %broadcast_in_dim3A_715 = vector.shape_cast %xor3A_714 : vector<16xi32> to vector<16x1xi32>
        %gather3A_716 = vector.shape_cast %broadcast_in_dim3A_715 : vector<16x1xi32> to vector<16xi32>
        %gather3A_717 = tpu.dynamic_gather %max3A_711[%gather3A_716] in [0] : vector<16xf32>, vector<16xi32> -> vector<16xf32>
        %max3A_718 = arith.maximumf %max3A_711, %gather3A_717 : vector<16xf32>
        %xor3A_719 = arith.constant 2 : i32
        %xor3A_720 = vector.broadcast %xor3A_719 : i32 to vector<16xi32>
        %xor3A_721 = arith.xori %iota3A, %xor3A_720 : vector<16xi32>
        %broadcast_in_dim3A_722 = vector.shape_cast %xor3A_721 : vector<16xi32> to vector<16x1xi32>
        %gather3A_723 = vector.shape_cast %broadcast_in_dim3A_722 : vector<16x1xi32> to vector<16xi32>
        %gather3A_724 = tpu.dynamic_gather %max3A_718[%gather3A_723] in [0] : vector<16xf32>, vector<16xi32> -> vector<16xf32>
        %max3A_725 = arith.maximumf %max3A_718, %gather3A_724 : vector<16xf32>
        %xor3A_726 = arith.constant 1 : i32
        %xor3A_727 = vector.broadcast %xor3A_726 : i32 to vector<16xi32>
        %xor3A_728 = arith.xori %iota3A, %xor3A_727 : vector<16xi32>
        %broadcast_in_dim3A_729 = vector.shape_cast %xor3A_728 : vector<16xi32> to vector<16x1xi32>
        %gather3A_730 = vector.shape_cast %broadcast_in_dim3A_729 : vector<16x1xi32> to vector<16xi32>
        %gather3A_731 = tpu.dynamic_gather %max3A_725[%gather3A_730] in [0] : vector<16xf32>, vector<16xi32> -> vector<16xf32>
        %max3A_732 = arith.maximumf %max3A_725, %gather3A_731 : vector<16xf32>
        %eq3A_733 = arith.cmpf oeq, %add3A_683, %max3A_732 : vector<16xf32>
        %jit3A_734 = arith.constant 64 : i32
        %broadcast_in_dim3A_735 = vector.broadcast %jit3A_734 : i32 to vector<16xi32>
        %select_n3A_736 = arith.select %eq3A_733, %iota3A, %broadcast_in_dim3A_735 : vector<16xi1>, vector<16xi32>
        %eq3A_737 = arith.cmpf oeq, %add3A_703, %max3A_732 : vector<16xf32>
        %add3A_738 = arith.constant 16 : i32
        %add3A_739 = vector.broadcast %add3A_738 : i32 to vector<16xi32>
        %add3A_740 = arith.addi %iota3A, %add3A_739 : vector<16xi32>
        %jit3A_741 = arith.constant 64 : i32
        %broadcast_in_dim3A_742 = vector.broadcast %jit3A_741 : i32 to vector<16xi32>
        %select_n3A_743 = arith.select %eq3A_737, %add3A_740, %broadcast_in_dim3A_742 : vector<16xi1>, vector<16xi32>
        %min3A_744 = arith.minsi %select_n3A_736, %select_n3A_743 : vector<16xi32>
        %xor3A_745 = arith.constant 8 : i32
        %xor3A_746 = vector.broadcast %xor3A_745 : i32 to vector<16xi32>
        %xor3A_747 = arith.xori %iota3A, %xor3A_746 : vector<16xi32>
        %broadcast_in_dim3A_748 = vector.shape_cast %xor3A_747 : vector<16xi32> to vector<16x1xi32>
        %gather3A_749 = vector.shape_cast %broadcast_in_dim3A_748 : vector<16x1xi32> to vector<16xi32>
        %gather3A_750 = tpu.dynamic_gather %min3A_744[%gather3A_749] in [0] : vector<16xi32>, vector<16xi32> -> vector<16xi32>
        %min3A_751 = arith.minsi %min3A_744, %gather3A_750 : vector<16xi32>
        %xor3A_752 = arith.constant 4 : i32
        %xor3A_753 = vector.broadcast %xor3A_752 : i32 to vector<16xi32>
        %xor3A_754 = arith.xori %iota3A, %xor3A_753 : vector<16xi32>
        %broadcast_in_dim3A_755 = vector.shape_cast %xor3A_754 : vector<16xi32> to vector<16x1xi32>
        %gather3A_756 = vector.shape_cast %broadcast_in_dim3A_755 : vector<16x1xi32> to vector<16xi32>
        %gather3A_757 = tpu.dynamic_gather %min3A_751[%gather3A_756] in [0] : vector<16xi32>, vector<16xi32> -> vector<16xi32>
        %min3A_758 = arith.minsi %min3A_751, %gather3A_757 : vector<16xi32>
        %xor3A_759 = arith.constant 2 : i32
        %xor3A_760 = vector.broadcast %xor3A_759 : i32 to vector<16xi32>
        %xor3A_761 = arith.xori %iota3A, %xor3A_760 : vector<16xi32>
        %broadcast_in_dim3A_762 = vector.shape_cast %xor3A_761 : vector<16xi32> to vector<16x1xi32>
        %gather3A_763 = vector.shape_cast %broadcast_in_dim3A_762 : vector<16x1xi32> to vector<16xi32>
        %gather3A_764 = tpu.dynamic_gather %min3A_758[%gather3A_763] in [0] : vector<16xi32>, vector<16xi32> -> vector<16xi32>
        %min3A_765 = arith.minsi %min3A_758, %gather3A_764 : vector<16xi32>
        %xor3A_766 = arith.constant 1 : i32
        %xor3A_767 = vector.broadcast %xor3A_766 : i32 to vector<16xi32>
        %xor3A_768 = arith.xori %iota3A, %xor3A_767 : vector<16xi32>
        %broadcast_in_dim3A_769 = vector.shape_cast %xor3A_768 : vector<16xi32> to vector<16x1xi32>
        %gather3A_770 = vector.shape_cast %broadcast_in_dim3A_769 : vector<16x1xi32> to vector<16xi32>
        %gather3A_771 = tpu.dynamic_gather %min3A_765[%gather3A_770] in [0] : vector<16xi32>, vector<16xi32> -> vector<16xi32>
        %min3A_772 = arith.minsi %min3A_765, %gather3A_771 : vector<16xi32>
        %slice3A_773 = vector.extract_strided_slice %min3A_772 {offsets = [0], sizes = [1], strides = [1]} : vector<16xi32> to vector<1xi32>
        %squeeze3A_774 = vector.extract %slice3A_773[0] : i32 from vector<1xi32>
        %mul3A_775 = arith.constant 10 : i32
        %mul3A_776 = arith.muli %squeeze3A_774, %mul3A_775 : i32
        %get3A_777 = arith.index_cast %mul3A_776 : i32 to index
        %get3A_778 = tpu.vector_load %arg10[%get3A_777] {strides = array<i32>} : memref<336xf32, #tpu.memory_space<vmem>>, vector<16xf32>,
        %get3A_779 = vector.shape_cast %get3A_778 : vector<16xf32> to vector<16xf32>
        %mul3A_780 = arith.constant 10 : i32
        %mul3A_781 = arith.muli %scan3A_623, %mul3A_780 : i32
        %swap3A_782 = arith.index_cast %mul3A_781 : i32 to index
        %swap3A_783 = tpu.vector_load %arg8[%swap3A_782] {strides = array<i32>} : memref<10256xf32, #tpu.memory_space<vmem>>, vector<16xf32>,
        %swap3A_784 = vector.shape_cast %swap3A_783 : vector<16xf32> to vector<16xf32>
        %swap3A_785 = vector.shape_cast %get3A_779 : vector<16xf32> to vector<16xf32>
        tpu.vector_store %arg8[%swap3A_782], %swap3A_785 {strides = array<i32>} : memref<10256xf32, #tpu.memory_space<vmem>>, vector<16xf32>,
      }
      %scan3A_142 = arith.constant 1024 : i32
      "tpu.region"() ({
        %run_scoped3A = tpu.sem_alloc : memref<!tpu.dma_semaphore, #tpu.memory_space<semaphore_mem>>
        %dma_start3A = arith.constant 0 : i32
        %dma_start3A_143 = tpu.memref_slice %arg8[%dma_start3A] : memref<10256xf32, #tpu.memory_space<vmem>> -> memref<10240xf32, #tpu.memory_space<vmem>>
        %dma_start3A_144 = tpu.memref_slice %arg6[%add3A_136] : memref<2621440xf32, #tpu.memory_space<hbm>> -> memref<10240xf32, #tpu.memory_space<hbm>>
        %dma_start3A_145 = tpu.memref_slice %arg6[%add3A_136] : memref<2621440xf32, #tpu.memory_space<hbm>> -> memref<10240xf32, #tpu.memory_space<hbm>>
        %dma_start3A_146 = arith.constant 0 : i32
        %dma_start3A_147 = tpu.memref_slice %arg8[%dma_start3A_146] : memref<10256xf32, #tpu.memory_space<vmem>> -> memref<10240xf32, #tpu.memory_space<vmem>>
        tpu.enqueue_dma source(%dma_start3A_147 : memref<10240xf32, #tpu.memory_space<vmem>>) target(%dma_start3A_145 : memref<10240xf32, #tpu.memory_space<hbm>>) target_semaphore(%run_scoped3A : memref<!tpu.dma_semaphore, #tpu.memory_space<semaphore_mem>>)
        %dma_wait3A = arith.constant 0 : i32
        %dma_wait3A_148 = tpu.memref_slice %arg8[%dma_wait3A] : memref<10256xf32, #tpu.memory_space<vmem>> -> memref<10240xf32, #tpu.memory_space<vmem>>
        %dma_wait3A_149 = tpu.memref_slice %arg6[%add3A_136] : memref<2621440xf32, #tpu.memory_space<hbm>> -> memref<10240xf32, #tpu.memory_space<hbm>>
        %dma_wait3A_150 = tpu.memref_slice %arg6[%add3A_136] : memref<2621440xf32, #tpu.memory_space<hbm>> -> memref<10240xf32, #tpu.memory_space<hbm>>
        %dma_wait3A_151 = arith.constant 0 : i32
        %dma_wait3A_152 = tpu.memref_slice %arg8[%dma_wait3A_151] : memref<10256xf32, #tpu.memory_space<vmem>> -> memref<10240xf32, #tpu.memory_space<vmem>>
        tpu.wait_dma2 semaphore(%run_scoped3A : memref<!tpu.dma_semaphore, #tpu.memory_space<semaphore_mem>>) src(%dma_wait3A_152 : memref<10240xf32, #tpu.memory_space<vmem>>) dst(%dma_wait3A_150 : memref<10240xf32, #tpu.memory_space<hbm>>)
        tpu.yield
      }) : () -> ()
    }
    %scan3A_132 = arith.constant 8 : i32
    return
  }
}

</mosaic_0001>

<sc_bundles>
// kernel: kernel.3.cloned.1.call-start
scs
__scs_entry_jumppad:
0x0: {  	(pc) =	sbr.rel $0x88, $3  }
0x1: {  	(tag) =	ssettag $0x0;
	lr =	simm.s32 $0x1  }
0x2: {  	[smem:$0x3F9F] =	sst lr;
	_ =	strace $0xD0000000  }
0x3: {  	_ = 	snop  }
0x4: {  	_ = 	snop  }
0x5: {  	_ = 	snop  }
0x6: {  	_ = 	snop  }
0x7: {  	_ = 	snop  }
__scs_overlays_trampoline_lowered:
0x8: {  	[smem:$0x3FAE] =	sst s0  }
0x9: {  	[smem:$0x3FAF] =	sst s1  }
0xa: {  	[smem:$0x3FB0] =	sst s2  }
0xb: {  	[smem:$0x3FB1] =	sst s3  }
0xc: {  	[smem:$0x3FB2] =	sst s4  }
0xd: {  	[smem:$0x3FB3] =	sst s5  }
0xe: {  	[smem:$0x3FB4] =	sst s6  }
0xf: {  	[smem:$0x3FB5] =	sst s7  }
0x10: {  	[smem:$0x3FB6] =	sst s8  }
0x11: {  	[smem:$0x3FB7] =	sst s9;
	s0 =	simm.s32 @!p0 $0x0  }
0x12: {  	s1 =	sld [smem:$0x3F9D];
	s0 =	simm.s32 @p0 $0x1  }
0x13: {  	[smem:$0x3FB8] =	sst s0;
	s0 =	simm.s32 @!p1 $0x0  }
0x14: {  	s2 =	sld [smem:$0x3F9C];
	s0 =	simm.s32 @p1 $0x1  }
0x15: {  	[smem:$0x3FB9] =	sst s0;
	s0 =	simm.s32 @!p2 $0x0  }
0x16: {  	s3 =	sld [smem:$0x3FDB];
	s0 =	simm.s32 @p2 $0x1  }
0x17: {  	s4 =	simm.s32 $0x1BF5;
	[smem:$0x3FBB] =	sst s0  }
0x18: {  	s0 =	sld [smem:$0x3F9E];
	_ =	swait.ge [sflag:s4], $0x0  }
0x19: {  	s7 =	sld [smem:$0x3F9F]  }
0x1a: {  	s8 =	sadd.s32 $0xFFFFE003, lr  }
0x1b: {  	s9 =	sadd.s32 $0xFFFFFEF7, lr;
	s5 =	simm.s32 $0xFFFFFFFF;
	p2 =	slt.u32 s8, $0xFFFFF086  }
0x1c: {  	p1 =	slt.u32 s9, $0xF7A;
	s5 =	simm.s32 @!p2 $0x0  }
0x1d: {  	s5 =	simm.s32 @p1 $0x1;
	p0 =	seq.s32 s7, s2  }
0x1e: {  	s7 =	smul.u32 @!p0 $0xF7A, s2;
	p2 =	seq.s32 @!p0 s5, $0x0  }
0x1f: {  	s9 =	smul.u32 $0xF7A, s1;
	s8 =	simm.s32 @!p0 $0x1BF5;
	p2 =	por !p2, p0  }
0x20: {  	[sflag:s8] =	ssyncset.s32 @!p0 $0xFFFFF086;
	s6 =	sadd.s32 @!p0 s3, s7;
	s7 =	simm.s32 @!p0 $0x108  }
0x21: {  	s3 =	sadd.s32 s3, s9;
	s6 =	sadd.s32 @!p0 $0x88, s6;
	s7 =	simm.s32 @p2 $0x1082  }
0x22: {  	[simem:s7], [sflag:s8] =	dma.local @!p0 [hbm:s6], $0xF7A  }
0x23: {  	s9 =	sor.u32 $0xD0000000, s2;
	s6 =	simm.s32 $0x108;
	_ =	swait.ge @!p0 [sflag:s8], $0x0  }
0x24: {  	s3 =	sadd.s32 $0x88, s3;
	s6 =	simm.s32 @!p1 $0x1082;
	[sflag:s4] =	ssyncset.s32 $0xFFFFF086  }
0x25: {  	[simem:s6], [sflag:s4] =	dma.local [hbm:s3], $0xF7A  }
0x26: {  	[smem:$0x3F9F] =	sst s1;
	(tag) =	ssettag s2;
	_ =	strace s9  }
0x27: {  	s1 =	sld [smem:$0x3FAF]  }
0x28: {  	s2 =	sld [smem:$0x3FB0]  }
0x29: {  	s4 =	sld [smem:$0x3FB2]  }
0x2a: {  	p0 =	seq.s32 s5, $0x0;
	s5 =	sld [smem:$0x3FB3]  }
0x2b: {  	s6 =	sld [smem:$0x3FB4]  }
0x2c: {  	s7 =	sld [smem:$0x3FB5]  }
0x2d: {  	s3 =	simm.s32 $0x108;
	s8 =	sld [smem:$0x3FB6]  }
0x2e: {  	s3 =	simm.s32 @!p0 $0x1082;
	s9 =	sld [smem:$0x3FB7]  }
0x2f: {  	lr =	sadd.s32 s0, s3;
	s0 =	sld [smem:$0x3FAE]  }
0x30: {  	s3 =	sld [smem:$0x3FB1]  }
0x31: {  	[smem:$0x3FBA] =	sst s10  }
0x32: {  	s10 =	sld [smem:$0x3FB8];
	_ =	sdelay $0x3  }
0x33: {  	p0 =	seq.s32 s10, $0x1;
	s10 =	sld [smem:$0x3FBA];
	_ =	sdelay $0x3  }
0x34: {  	[smem:$0x3FBA] =	sst s10  }
0x35: {  	s10 =	sld [smem:$0x3FB9];
	_ =	sdelay $0x3  }
0x36: {  	p1 =	seq.s32 s10, $0x1;
	s10 =	sld [smem:$0x3FBA];
	_ =	sdelay $0x3  }
0x37: {  	[smem:$0x3FBA] =	sst s10  }
0x38: {  	s10 =	sld [smem:$0x3FBB]  }
0x39: {  	_ = 	snop;
	(pc) =	sbr.ind lr, $3  }
0x3a: {  	_ = 	snop  }
0x3b: {  	_ = 	snop  }
0x3c: {  	p2 =	seq.s32 s10, $0x1;
	s10 =	sld [smem:$0x3FBA]  }
0x3d: {  	_ =	shalt  }
0x3e: {  	_ =	shalt  }
0x3f: {  	_ =	shalt  }
0x40: {  	_ =	shalt  }
0x41: {  	_ =	shalt  }
0x42: {  	_ =	shalt  }
0x43: {  	_ =	shalt  }
0x44: {  	_ =	shalt  }
0x45: {  	_ =	shalt  }
0x46: {  	_ =	shalt  }
0x47: {  	_ =	shalt  }
0x48: {  	_ =	shalt  }
0x49: {  	_ =	shalt  }
0x4a: {  	_ =	shalt  }
0x4b: {  	_ =	shalt  }
0x4c: {  	_ =	shalt  }
0x4d: {  	_ =	shalt  }
0x4e: {  	_ =	shalt  }
0x4f: {  	_ =	shalt  }
0x50: {  	_ =	shalt  }
0x51: {  	_ =	shalt  }
0x52: {  	_ =	shalt  }
0x53: {  	_ =	shalt  }
0x54: {  	_ =	shalt  }
0x55: {  	_ =	shalt  }
0x56: {  	_ =	shalt  }
0x57: {  	_ =	shalt  }
0x58: {  	_ =	shalt  }
0x59: {  	_ =	shalt  }
0x5a: {  	_ =	shalt  }
0x5b: {  	_ =	shalt  }
0x5c: {  	_ =	shalt  }
0x5d: {  	_ =	shalt  }
0x5e: {  	_ =	shalt  }
0x5f: {  	_ =	shalt  }
0x60: {  	_ =	shalt  }
0x61: {  	_ =	shalt  }
0x62: {  	_ =	shalt  }
0x63: {  	_ =	shalt  }
0x64: {  	_ =	shalt  }
0x65: {  	_ =	shalt  }
0x66: {  	_ =	shalt  }
0x67: {  	_ =	shalt  }
0x68: {  	_ =	shalt  }
0x69: {  	_ =	shalt  }
0x6a: {  	_ =	shalt  }
0x6b: {  	_ =	shalt  }
0x6c: {  	_ =	shalt  }
0x6d: {  	_ =	shalt  }
0x6e: {  	_ =	shalt  }
0x6f: {  	_ =	shalt  }
0x70: {  	_ =	shalt  }
0x71: {  	_ =	shalt  }
0x72: {  	_ =	shalt  }
0x73: {  	_ =	shalt  }
0x74: {  	_ =	shalt  }
0x75: {  	_ =	shalt  }
0x76: {  	_ =	shalt  }
0x77: {  	_ =	shalt  }
0x78: {  	_ =	shalt  }
0x79: {  	_ =	shalt  }
0x7a: {  	_ =	shalt  }
0x7b: {  	_ =	shalt  }
0x7c: {  	_ =	shalt  }
0x7d: {  	_ =	shalt  }
0x7e: {  	_ =	shalt  }
0x7f: {  	_ =	shalt  }
0x80: {  	_ =	shalt  }
0x81: {  	_ =	shalt  }
0x82: {  	_ =	shalt  }
0x83: {  	_ =	shalt  }
0x84: {  	_ =	shalt  }
0x85: {  	_ =	shalt  }
0x86: {  	_ =	shalt  }
0x87: {  	_ =	shalt  }
.Lfunc_end0:
.L_simem_size_0:
called_computation_lowered:
.L_overlay_start_0:
0x88: {  	s2 =	sld [smem:$0x3FD9]  }
0x89: {  	s3 =	sld [smem:$0x3FFE];
	_ =	sdelay $0x1  }
0x8a: {  	s1 =	srdreg.scid  }
0x8b: {  	s0 =	sand.u32 $0x1, s1  }
0x8c: {  	s17 =	sshll.u32 s0, $0xA;
	s2 =	sadd.s32 s3, s2  }
0x8d: {  	s2 =	sadd.s32 s2, s17  }
0x8e: {  	[smem:$0x3FC6] =	sst s2  }
0x8f: {  	_ = 	snop  }
0x90: {  	s2 =	sld [smem:$0x3FD0];
	(tm) =	ssettm $0x1  }
0x91: {  	s18 =	sld [smem:$0x3FFB];
	_ =	sdelay $0x3  }
0x92: {  	_ =	strace s18  }
0x93: {  	s3 =	sld [smem:$0x3FFC];
	_ =	sdelay $0x3  }
0x94: {  	_ =	strace s3  }
0x95: {  	s3 =	sld [smem:$0x3FFD];
	_ =	sdelay $0x3  }
0x96: {  	_ =	strace s3  }
0x97: {  	_ =	strace $0x8FFFFFFF  }
0x98: {  	s19 =	sld [smem:$0x3FDB];
	_ =	sdelay $0x1  }
0x99: {  	s4 =	simm.s32 $_scs_section_size  }
0x9a: {  	s5 =	simm.s32 $_size__tile_overlayer_lowered;
	s6 =	simm.s32 $_tile_overlayer_lowered  }
0x9b: {  	s22 =	simm.s32 $0x1BFF;
	s21 =	sshll.u32 s6, $0x1;
	s3 =	sadd.s32 s4, s19  }
0x9c: {  	s7 =	simm.s32 $0x0;
	s20 =	sshll.u32 s5, $0x1;
	s5 =	sadd.s32 s21, s3  }
0x9d: {  	[timem:s7], [sflag:s22] =	dma.local [hbm:s5], s20  }
0x9e: {  	_ =	swait.ge [sflag:s22], s20  }
0x9f: {  	s4 =	ssub.s32 $0x0, s20;
	[sflag:s22] =	ssyncset.done $0x0  }
0xa0: {  	[sflag:s22] =	ssyncadd.s32 s4;
	_ =	sdelay $0x1  }
0xa1: {  	s23 =	simm.s32 $0x1B8B  }
0xa2: {  	_ =	swait.ge [sflag:s23], $0x1  }
0xa3: {  	[sflag:s23] =	ssyncset.done $0x0  }
0xa4: {  	s25 =	simm.s32 $0x1B8E;
	s24 =	sld [smem:$0x3FFE];
	[sflag:s23] =	ssyncadd.s32 $0xFFFFFFFF  }
0xa5: {  	s26 =	simm.s32 $execute0_lowered;
	[smem:$0x3FD2] =	sst s25  }
0xa6: {  	s5 =	sshll.u32 s26, $0x1;
	_ =	strace $0x80000046;
	[dreg:$0x1] =	wrdreg $0xFFFFFFFF  }
0xa7: {  	s28 =	simm.s32 $_size_execute0_lowered;
	s3 =	sadd.s32 s3, s5;
	[dreg:$0x0] =	wrdreg $0x0  }
0xa8: {  	s5 =	sshll.u32 s28, $0x1;
	[dreg:$0x2] =	wrdreg s3  }
0xa9: {  	[dreg:$0x3] =	wrdreg s5  }
0xaa: {  	[dreg:$0x4] =	wrdreg $0xC0  }
0xab: {  	_ =	task [dreg:s7], $0x5FFFF  }
0xac: {  	[dreg:$0x1] =	wrdreg $0xFFFFFFFF  }
0xad: {  	[dreg:$0x0] =	wrdreg $0x60  }
0xae: {  	[dreg:$0x2] =	wrdreg s2  }
0xaf: {  	[dreg:$0x3] =	wrdreg s24  }
0xb0: {  	[dreg:$0x4] =	wrdreg $0x9  }
0xb1: {  	_ =	task.clear_ibuf [dreg:s7], $0x5FFFF;
	_ =	strace $0x90000046  }
0xb2: {  	s29 =	simm.s32 $0x9;
	_ =	strace $0x80000048  }
0xb3: {  	_ =	swait.ge [sflag:s29], $0x1  }
0xb4: {  	[sflag:s29] =	ssyncadd.s32 $0xFFFFFFFF  }
0xb5: {  	_ =	strace $0x90000048  }
0xb6: {  	_ =	sfence  }
0xb7: {  	s30 =	sld [smem:$0x0];
	_ =	sdelay $0x2  }
0xb8: {  	s31 =	sshll.u32 s1, $0xD;
	s1 =	sshrl.u32 s1, $0x2  }
0xb9: {  	s3 =	sand.u32 $0x4000, s31;
	s1 =	sadd.s32 s1, s30  }
0xba: {  	s0 =	sor.u32 s3, s0;
	s1 =	sshll.u32 s1, $0x11  }
0xbb: {  	s0 =	sor.u32 s1, s0  }
0xbc: {  	s0 =	sadd.s32 $0x8F2B, s0  }
0xbd: {  	[sflag:s0] =	ssyncadd.remote.s32 $0x1  }
0xbe: {  	_ =	sfence.sel $0xFFFF  }
0xbf: {  	[dreg:$0x0] =	wrdreg $0xFFFFFFFF;
	(pc) =	sbr.abs _section_cstart, $3  }
0xc0: {  	[dreg:$0x1] =	wrdreg $0xFFFFFFFF  }
0xc1: {  	_ =	task.clear_ibuf [dreg:s7], $0x2FFFF;
	_ =	strace $0x9FFFFFFF  }
0xc2: {  	(tm) =	ssettm $0x7FFFFFFF  }
0xc3: {  	_ =	shalt  }
tec
execute0_lowered:
.L_overlay_start_1:
0x0: {  	(tag) =	ssettag $0x1  }
0x1: {  	v0 =	vimm.s32 $0x0;
	v1 =	vimm.s32 $0x1  }
0x2: {  	v2 =	vimm.s32 $0x2;
	v3 =	vimm.s32 $0x3;
	v4 =	vimm.s32 $0x4  }
0x3: {  	v7 =	vimm.s32 $0xBA98FEDC;
	v8 =	vimm.s32 $0x76543210;
	v9 =	vimm.s32 $0xFEDCBA98  }
0x4: {  	v12 =	vimm.s32 $0xDCFE98BA;
	v13 =	vimm.s32 $0x54761032;
	v10 =	vunpack.c.l.s4.s8 v7  }
0x5: {  	v11 =	vunpack.c.l.s4.s8 v8;
	v8 =	vunpack.c.l.s4.s8 v9;
	v12 =	vunpack.c.l.s4.s8 v12  }
0x6: {  	s0 =	rddreg [dreg:$0x0];
	v13 =	vunpack.c.l.s4.s8 v13;
	v9 =	vunpack.c.0.s8.s32 v10;
	v10 =	vimm.s32 $0x32107654  }
0x7: {  	v5 =	vimm.s32 $0x5;
	s7 =	rddreg [dreg:$0x1];
	v14 =	vimm.s32 $0xEFCDAB89;
	v10 =	vunpack.c.l.s4.s8 v10  }
0x8: {  	s1 =	rddreg [dreg:$0x2];
	s2 =	simm.s32 $0x0;
	s3 =	srdreg.scid;
	v15 =	vimm.s32 $0x67452301;
	v12 =	vunpack.c.0.s8.s32 v12;
	v13 =	vunpack.c.0.s8.s32 v13  }
0x9: {  	s12 =	simm.s32 $0x5280;
	s13 =	simm.s32 $0x5400;
	s14 =	simm.s32 $0x2880;
	v14 =	vunpack.c.l.s4.s8 v14;
	v15 =	vunpack.c.l.s4.s8 v15;
	v10 =	vunpack.c.0.s8.s32 v10  }
0xa: {  	v6 =	vimm.s32 $0x6;
	s15 =	simm.s32 $0x0;
	[smem:$0x7FF] =	sst s2;
	s8 =	sand.u32 $0x1, s3;
	v16 =	vunpack.c.0.s8.s32 v8;
	v13 =	vcombine.low v13, v12  }
0xb: {  	s4 =	sadd.s32 $0x400, s7;
	s3 =	stileid.u32;
	s5 =	sadd.s32 $0x200, s7;
	v17 =	vcombine.low v10, v9;
	v10 =	vunpack.c.0.s8.s32 v14;
	v14 =	vunpack.c.0.s8.s32 v15  }
0xc: {  	v7 =	vimm.s32 $0x7;
	s6 =	sadd.s32 $0x600, s7;
	s7 =	sadd.s32 $0x800, s7;
	s9 =	ssub.s32 $0x2, s8;
	v8 =	vimm.s32 $0x8;
	v11 =	vunpack.c.0.s8.s32 v11  }
0xd: {  	_ =	strace $0x80000047;
	s11 =	sshll.u32 s3, $0x1;
	s10 =	sshrl.u32 s9, $0x1;
	v12 =	vand.u32 $0xF, v16;
	v13 =	vand.u32 $0xF, v13;
	v14 =	vcombine.low v14, v10  }
0xe: {  	s8 =	sor.u32 s8, s11;
	s11 =	simm.s32 $0x1;
	s9 =	ssub.s32 s9, s10;
	v9 =	vimm.s32 $0x9;
	v10 =	vcombine.low v12, v11;
	v12 =	vlaneseq.u32  }
0xf: {  	s8 =	smul.u32 $0x14000, s8;
	s10 =	simm.s32 $0x5100;
	s9 =	smax.u32 s9, $0x1;
	v11 =	vand.u32 $0xF, v17;
	v15 =	vor.u32 $0x10, v12;
	v14 =	vand.u32 $0xF, v14  }
.LBB2_1:
0x10: {  	[tilespmem:s10], [sflag:$0x1] =	stream.linear.gather [hbm4b:s4+s2], $0x140, $0x38;
	[tilespmem:$0x5480] =	vst v63  }
0x11: {  	_ =	swait.ge [sflag:s11], $0x140  }
0x12: {  	[sflag:s11] =	ssyncset.done $0x0  }
0x13: {  	[sflag:s11] =	ssyncadd.s32 $0xFFFFFEC0  }
0x14: {  	[tilespmem:s12], [sflag:$0x1] =	stream.linear.gather [hbm4b:s5+s2], $0x140, $0x38;
	[tilespmem:$0x5480] =	vst v63  }
0x15: {  	_ =	swait.ge [sflag:s11], $0x140  }
0x16: {  	[sflag:s11] =	ssyncset.done $0x0  }
0x17: {  	[sflag:s11] =	ssyncadd.s32 $0xFFFFFEC0  }
0x18: {  	[tilespmem:s13], [sflag:$0x1] =	stream.linear.gather [hbm4b:s6+s2], $0x80, $0x38;
	[tilespmem:$0x5480] =	vst v63  }
0x19: {  	_ =	swait.ge [sflag:s11], $0x80  }
0x1a: {  	[sflag:s11] =	ssyncset.done $0x0  }
0x1b: {  	[sflag:s11] =	ssyncadd.s32 $0xFFFFFF80  }
0x1c: {  	v16 =	vld [tilespmem:$0x5100]  }
0x1d: {  	v17 =	vld [tilespmem:$0x5120]  }
0x1e: {  	v18 =	vld [tilespmem:$0x5140]  }
0x1f: {  	v19 =	vld [tilespmem:$0x5160]  }
0x20: {  	v20 =	vld [tilespmem:$0x5180]  }
0x21: {  	v21 =	vld [tilespmem:$0x51A0]  }
0x22: {  	v22 =	vld [tilespmem:$0x51C0]  }
0x23: {  	v23 =	vld [tilespmem:$0x51E0]  }
0x24: {  	v24 =	vld [tilespmem:$0x5200]  }
0x25: {  	v25 =	vld [tilespmem:$0x5220]  }
0x26: {  	v26 =	vld [tilespmem:$0x5110]  }
0x27: {  	v27 =	vld [tilespmem:$0x5130]  }
0x28: {  	v28 =	vld [tilespmem:$0x5150]  }
0x29: {  	v29 =	vld [tilespmem:$0x5170]  }
0x2a: {  	v30 =	vld [tilespmem:$0x5190]  }
0x2b: {  	v31 =	vld [tilespmem:$0x51B0]  }
0x2c: {  	v32 =	vld [tilespmem:$0x51D0]  }
0x2d: {  	v33 =	vld [tilespmem:$0x51F0]  }
0x2e: {  	v34 =	vld [tilespmem:$0x5210]  }
0x2f: {  	v35 =	vld [tilespmem:$0x5230]  }
0x30: {  	v36 =	vld [tilespmem:$0x5400]  }
0x31: {  	s16 =	simm.s32 $0x0;
	v37 =	vld [tilespmem:$0x5410]  }
.LBB2_2:
0x32: {  	s17 =	smul.u32 $0x2800, s16;
	_ =	sdelay $0x1  }
0x33: {  	s17 =	sadd.s32 s8, s17  }
0x34: {  	s17 =	sshrl.u32 s17, $0x3  }
0x35: {  	s18 =	sadd.s32 s0, s17  }
0x36: {  	[tilespmem:s2], [sflag:$0x1] =	stream.linear.gather [hbm4b:s18+s2], $0x2800, $0x38;
	[tilespmem:$0x5480] =	vst v63  }
0x37: {  	_ =	swait.ge [sflag:s11], $0x2800  }
0x38: {  	s19 =	simm.s32 $0x14;
	[sflag:s11] =	ssyncset.done $0x0  }
0x39: {  	s20 =	simm.s32 $0x2894;
	s18 =	simm.s32 $0xFFFFFFFC;
	[sflag:s11] =	ssyncadd.s32 $0xFFFFD800  }
.LBB2_3:
0x3a: {  	v38 =	vld [tilespmem:s19+$0xFFFFFFEC];
	_ =	sdelay $0x4  }
0x3b: {  	v39 =	vmul.f32 $6.553700000e+04, v38;
	_ =	sdelay $0x1  }
0x3c: {  	v38 =	vsub.f32 v39, v38;
	_ =	sdelay $0x1  }
0x3d: {  	v38 =	vsub.f32 v39, v38;
	_ =	sdelay $0x1  }
0x3e: {  	v39 =	vperm.xlane v38, v0;
	v40 =	vperm.xlane v38, v1  }
0x3f: {  	v41 =	vperm.xlane v38, v2;
	v42 =	vperm.xlane v38, v3  }
0x40: {  	v43 =	vperm.xlane v38, v4;
	v44 =	vperm.xlane v38, v5  }
0x41: {  	v45 =	vperm.xlane v38, v6;
	v46 =	vperm.xlane v38, v7  }
0x42: {  	v47 =	vperm.xlane v38, v8;
	v38 =	vperm.xlane v38, v9  }
0x43: {  	v48 =	vmul.f32 v39, v16;
	v49 =	vmul.f32 v40, v17  }
0x44: {  	v50 =	vmul.f32 v41, v18;
	v51 =	vmul.f32 v42, v19  }
0x45: {  	v52 =	vmul.f32 v43, v20;
	v53 =	vmul.f32 v44, v21  }
0x46: {  	v54 =	vmul.f32 v45, v22;
	v55 =	vmul.f32 v46, v23  }
0x47: {  	v39 =	vmul.f32 v39, v26;
	v40 =	vmul.f32 v40, v27  }
0x48: {  	v41 =	vmul.f32 v41, v28;
	v42 =	vmul.f32 v42, v29  }
0x49: {  	v43 =	vmul.f32 v43, v30;
	v44 =	vmul.f32 v44, v31  }
0x4a: {  	v45 =	vmul.f32 v45, v32;
	v48 =	vadd.f32 v49, v48;
	v62 =	vadd.f32 v51, v50  }
0x4b: {  	v46 =	vmul.f32 v46, v33;
	v63 =	vadd.f32 v53, v52;
	v56 =	vadd.f32 v55, v54  }
0x4c: {  	v57 =	vmul.f32 v47, v24;
	v39 =	vadd.f32 v40, v39;
	v58 =	vadd.f32 v42, v41  }
0x4d: {  	v59 =	vmul.f32 v38, v25;
	v60 =	vadd.f32 v44, v43;
	v61 =	vadd.f32 v46, v45  }
0x4e: {  	v38 =	vmul.f32 v38, v35;
	v62 =	vadd.f32 v62, v48;
	v63 =	vadd.f32 v56, v63  }
0x4f: {  	v48 =	vmul.f32 v47, v34;
	v39 =	vadd.f32 v58, v39;
	v49 =	vadd.f32 v61, v60  }
0x50: {  	v41 =	vadd.f32 v59, v57;
	v50 =	vadd.f32 v63, v62  }
0x51: {  	v38 =	vadd.f32 v38, v48;
	v39 =	vadd.f32 v49, v39;
	_ =	sdelay $0x1  }
0x52: {  	v51 =	vadd.f32 v41, v50;
	v38 =	vadd.f32 v38, v39;
	_ =	sdelay $0x1  }
0x53: {  	v52 =	vadd.f32 v51, v36;
	v38 =	vadd.f32 v38, v37;
	_ =	sdelay $0x1  }
0x54: {  	v40 =	vmax.f32 v52, v38  }
0x55: {  	v53 =	vperm.xlane v40, v10;
	_ =	sdelay $0x1  }
0x56: {  	v40 =	vmax.f32 v40, v53  }
0x57: {  	v41 =	vperm.xlane v40, v11;
	_ =	sdelay $0x1  }
0x58: {  	v40 =	vmax.f32 v40, v41  }
0x59: {  	v41 =	vperm.xlane v40, v13;
	_ =	sdelay $0x1  }
0x5a: {  	v40 =	vmax.f32 v40, v41  }
0x5b: {  	v41 =	vperm.xlane v40, v14;
	_ =	sdelay $0x1  }
0x5c: {  	v40 =	vmax.f32 v40, v41  }
0x5d: {  	vm0 =	veq.f32 v38, v40  }
0x5e: {  	vm1 =	veq.f32 v52, v40;
	v38 =	vnsel vm0, $0x40, v15  }
0x5f: {  	v38 =	vsel vm1, v12, v38  }
0x60: {  	v54 =	vperm.xlane v38, v10;
	_ =	sdelay $0x1  }
0x61: {  	vm6 =	vlt.s32 v38, v54  }
0x62: {  	v38 =	vsel vm6, v38, v54  }
0x63: {  	v39 =	vperm.xlane v38, v11;
	_ =	sdelay $0x1  }
0x64: {  	vm0 =	vlt.s32 v38, v39  }
0x65: {  	v38 =	vsel vm0, v38, v39  }
0x66: {  	v39 =	vperm.xlane v38, v13;
	_ =	sdelay $0x1  }
0x67: {  	vm0 =	vlt.s32 v38, v39  }
0x68: {  	v38 =	vsel vm0, v38, v39  }
0x69: {  	v39 =	vperm.xlane v38, v14;
	_ =	sdelay $0x1  }
0x6a: {  	vm0 =	vlt.s32 v38, v39  }
0x6b: {  	v38 =	vsel vm0, v38, v39  }
0x6c: {  	(v2sf) =	vpush v38, $0x0;
	_ =	sdelay $0xe  }
0x6d: {  	s21 =	spop (v2sf)  }
0x6e: {  	s21 =	smul.u32 $0x28, s21;
	_ =	sdelay $0x1  }
0x6f: {  	s21 =	sshra.s32 s21, $0x2  }
0x70: {  	v55 =	vld [tilespmem:s21+$0x5280];
	_ =	sdelay $0x4  }
0x71: {  	[tilespmem:s20+$0xFFFFFFEC] =	vst v55  }
0x72: {  	v38 =	vld [tilespmem:s19+$0xFFFFFFF6];
	_ =	sdelay $0x4  }
0x73: {  	v56 =	vmul.f32 $6.553700000e+04, v38;
	_ =	sdelay $0x1  }
0x74: {  	v38 =	vsub.f32 v56, v38;
	_ =	sdelay $0x1  }
0x75: {  	v38 =	vsub.f32 v56, v38;
	_ =	sdelay $0x1  }
0x76: {  	v39 =	vperm.xlane v38, v0  }
0x77: {  	v40 =	vperm.xlane v38, v1;
	v41 =	vperm.xlane v38, v2  }
0x78: {  	v42 =	vperm.xlane v38, v3;
	v43 =	vperm.xlane v38, v4  }
0x79: {  	v44 =	vperm.xlane v38, v5;
	v45 =	vperm.xlane v38, v6  }
0x7a: {  	v46 =	vperm.xlane v38, v7;
	v47 =	vperm.xlane v38, v8  }
0x7b: {  	v38 =	vperm.xlane v38, v9;
	v48 =	vmul.f32 v39, v16  }
0x7c: {  	v57 =	vmul.f32 v40, v17;
	v58 =	vmul.f32 v41, v18  }
0x7d: {  	v59 =	vmul.f32 v42, v19;
	v60 =	vmul.f32 v43, v20  }
0x7e: {  	v61 =	vmul.f32 v44, v21;
	v62 =	vmul.f32 v45, v22  }
0x7f: {  	v63 =	vmul.f32 v46, v23;
	v39 =	vmul.f32 v39, v26  }
0x80: {  	v40 =	vmul.f32 v40, v27;
	v41 =	vmul.f32 v41, v28  }
0x81: {  	v42 =	vmul.f32 v42, v29;
	v43 =	vmul.f32 v43, v30  }
0x82: {  	v44 =	vmul.f32 v44, v31;
	v45 =	vmul.f32 v45, v32  }
0x83: {  	v46 =	vmul.f32 v46, v33;
	v48 =	vadd.f32 v57, v48;
	v56 =	vadd.f32 v59, v58  }
0x84: {  	v53 =	vmul.f32 v47, v34;
	v57 =	vadd.f32 v61, v60;
	v58 =	vadd.f32 v63, v62  }
0x85: {  	v59 =	vmul.f32 v47, v24;
	v39 =	vadd.f32 v40, v39;
	v60 =	vadd.f32 v42, v41  }
0x86: {  	v61 =	vmul.f32 v38, v25;
	v62 =	vadd.f32 v44, v43;
	v63 =	vadd.f32 v46, v45  }
0x87: {  	v38 =	vmul.f32 v38, v35;
	v49 =	vadd.f32 v56, v48;
	v51 =	vadd.f32 v58, v57  }
0x88: {  	v39 =	vadd.f32 v60, v39;
	v54 =	vadd.f32 v63, v62  }
0x89: {  	v41 =	vadd.f32 v61, v59;
	v38 =	vadd.f32 v38, v53  }
0x8a: {  	v55 =	vadd.f32 v51, v49;
	v39 =	vadd.f32 v54, v39;
	_ =	sdelay $0x1  }
0x8b: {  	v56 =	vadd.f32 v41, v55;
	v38 =	vadd.f32 v38, v39;
	_ =	sdelay $0x1  }
0x8c: {  	v57 =	vadd.f32 v56, v36;
	v38 =	vadd.f32 v38, v37;
	_ =	sdelay $0x1  }
0x8d: {  	v40 =	vmax.f32 v57, v38  }
0x8e: {  	v58 =	vperm.xlane v40, v10;
	_ =	sdelay $0x1  }
0x8f: {  	v40 =	vmax.f32 v40, v58  }
0x90: {  	v41 =	vperm.xlane v40, v11;
	_ =	sdelay $0x1  }
0x91: {  	v40 =	vmax.f32 v40, v41  }
0x92: {  	v41 =	vperm.xlane v40, v13;
	_ =	sdelay $0x1  }
0x93: {  	v40 =	vmax.f32 v40, v41  }
0x94: {  	v41 =	vperm.xlane v40, v14;
	_ =	sdelay $0x1  }
0x95: {  	v40 =	vmax.f32 v40, v41  }
0x96: {  	vm7 =	veq.f32 v38, v40  }
0x97: {  	vm8 =	veq.f32 v57, v40;
	v38 =	vnsel vm7, $0x40, v15  }
0x98: {  	v38 =	vsel vm8, v12, v38  }
0x99: {  	v59 =	vperm.xlane v38, v10;
	_ =	sdelay $0x1  }
0x9a: {  	vm9 =	vlt.s32 v38, v59  }
0x9b: {  	v38 =	vsel vm9, v38, v59  }
0x9c: {  	v39 =	vperm.xlane v38, v11;
	_ =	sdelay $0x1  }
0x9d: {  	vm0 =	vlt.s32 v38, v39  }
0x9e: {  	v38 =	vsel vm0, v38, v39  }
0x9f: {  	v39 =	vperm.xlane v38, v13;
	_ =	sdelay $0x1  }
0xa0: {  	vm0 =	vlt.s32 v38, v39  }
0xa1: {  	v38 =	vsel vm0, v38, v39  }
0xa2: {  	v39 =	vperm.xlane v38, v14;
	_ =	sdelay $0x1  }
0xa3: {  	vm0 =	vlt.s32 v38, v39  }
0xa4: {  	v38 =	vsel vm0, v38, v39  }
0xa5: {  	(v2sf) =	vpush v38, $0x0;
	_ =	sdelay $0xe  }
0xa6: {  	s29 =	spop (v2sf)  }
0xa7: {  	s21 =	smul.u32 $0x28, s29;
	_ =	sdelay $0x1  }
0xa8: {  	s21 =	sshra.s32 s21, $0x2  }
0xa9: {  	v60 =	vld [tilespmem:s21+$0x5280];
	_ =	sdelay $0x4  }
0xaa: {  	[tilespmem:s20+$0xFFFFFFF6] =	vst v60  }
0xab: {  	v38 =	vld [tilespmem:s19+$0x0];
	_ =	sdelay $0x4  }
0xac: {  	v61 =	vmul.f32 $6.553700000e+04, v38;
	_ =	sdelay $0x1  }
0xad: {  	v38 =	vsub.f32 v61, v38;
	_ =	sdelay $0x1  }
0xae: {  	v38 =	vsub.f32 v61, v38;
	_ =	sdelay $0x1  }
0xaf: {  	v39 =	vperm.xlane v38, v0;
	v40 =	vperm.xlane v38, v1  }
0xb0: {  	v41 =	vperm.xlane v38, v2;
	v42 =	vperm.xlane v38, v3  }
0xb1: {  	v43 =	vperm.xlane v38, v4;
	v44 =	vperm.xlane v38, v5  }
0xb2: {  	v45 =	vperm.xlane v38, v6;
	v46 =	vperm.xlane v38, v7  }
0xb3: {  	v47 =	vperm.xlane v38, v8;
	v38 =	vperm.xlane v38, v9  }
0xb4: {  	v48 =	vmul.f32 v39, v16;
	v62 =	vmul.f32 v40, v17  }
0xb5: {  	v63 =	vmul.f32 v41, v18;
	v57 =	vmul.f32 v42, v19  }
0xb6: {  	v58 =	vmul.f32 v43, v20;
	v59 =	vmul.f32 v44, v21  }
0xb7: {  	v60 =	vmul.f32 v45, v22;
	v61 =	vmul.f32 v46, v23  }
0xb8: {  	v39 =	vmul.f32 v39, v26;
	v40 =	vmul.f32 v40, v27  }
0xb9: {  	v41 =	vmul.f32 v41, v28;
	v42 =	vmul.f32 v42, v29  }
0xba: {  	v43 =	vmul.f32 v43, v30;
	v44 =	vmul.f32 v44, v31  }
0xbb: {  	v45 =	vmul.f32 v45, v32;
	v48 =	vadd.f32 v62, v48;
	v62 =	vadd.f32 v57, v63  }
0xbc: {  	v46 =	vmul.f32 v46, v33;
	v63 =	vadd.f32 v59, v58;
	v56 =	vadd.f32 v61, v60  }
0xbd: {  	v57 =	vmul.f32 v47, v24;
	v39 =	vadd.f32 v40, v39;
	v58 =	vadd.f32 v42, v41  }
0xbe: {  	v59 =	vmul.f32 v38, v25;
	v60 =	vadd.f32 v44, v43;
	v61 =	vadd.f32 v46, v45  }
0xbf: {  	v38 =	vmul.f32 v38, v35;
	v62 =	vadd.f32 v62, v48;
	v63 =	vadd.f32 v56, v63  }
0xc0: {  	v48 =	vmul.f32 v47, v34;
	v39 =	vadd.f32 v58, v39;
	v49 =	vadd.f32 v61, v60  }
0xc1: {  	v41 =	vadd.f32 v59, v57;
	v50 =	vadd.f32 v63, v62  }
0xc2: {  	v38 =	vadd.f32 v38, v48;
	v39 =	vadd.f32 v49, v39;
	_ =	sdelay $0x1  }
0xc3: {  	v51 =	vadd.f32 v41, v50;
	v38 =	vadd.f32 v38, v39;
	_ =	sdelay $0x1  }
0xc4: {  	v52 =	vadd.f32 v51, v36;
	v38 =	vadd.f32 v38, v37;
	_ =	sdelay $0x1  }
0xc5: {  	v40 =	vmax.f32 v52, v38  }
0xc6: {  	v53 =	vperm.xlane v40, v10;
	_ =	sdelay $0x1  }
0xc7: {  	v40 =	vmax.f32 v40, v53  }
0xc8: {  	v41 =	vperm.xlane v40, v11;
	_ =	sdelay $0x1  }
0xc9: {  	v40 =	vmax.f32 v40, v41  }
0xca: {  	v41 =	vperm.xlane v40, v13;
	_ =	sdelay $0x1  }
0xcb: {  	v40 =	vmax.f32 v40, v41  }
0xcc: {  	v41 =	vperm.xlane v40, v14;
	_ =	sdelay $0x1  }
0xcd: {  	v40 =	vmax.f32 v40, v41  }
0xce: {  	vm10 =	veq.f32 v38, v40  }
0xcf: {  	vm11 =	veq.f32 v52, v40;
	v38 =	vnsel vm10, $0x40, v15  }
0xd0: {  	v38 =	vsel vm11, v12, v38  }
0xd1: {  	v54 =	vperm.xlane v38, v10;
	_ =	sdelay $0x1  }
0xd2: {  	vm12 =	vlt.s32 v38, v54  }
0xd3: {  	v38 =	vsel vm12, v38, v54  }
0xd4: {  	v39 =	vperm.xlane v38, v11;
	_ =	sdelay $0x1  }
0xd5: {  	vm0 =	vlt.s32 v38, v39  }
0xd6: {  	v38 =	vsel vm0, v38, v39  }
0xd7: {  	v39 =	vperm.xlane v38, v13;
	_ =	sdelay $0x1  }
0xd8: {  	vm0 =	vlt.s32 v38, v39  }
0xd9: {  	v38 =	vsel vm0, v38, v39  }
0xda: {  	v39 =	vperm.xlane v38, v14;
	_ =	sdelay $0x1  }
0xdb: {  	vm0 =	vlt.s32 v38, v39  }
0xdc: {  	v38 =	vsel vm0, v38, v39  }
0xdd: {  	(v2sf) =	vpush v38, $0x0;
	_ =	sdelay $0xe  }
0xde: {  	s30 =	spop (v2sf)  }
0xdf: {  	s21 =	smul.u32 $0x28, s30;
	_ =	sdelay $0x1  }
0xe0: {  	s21 =	sshra.s32 s21, $0x2  }
0xe1: {  	v55 =	vld [tilespmem:s21+$0x5280];
	_ =	sdelay $0x4  }
0xe2: {  	[tilespmem:s20+$0x0] =	vst v55  }
0xe3: {  	v38 =	vld [tilespmem:s19+$0xA];
	_ =	sdelay $0x4  }
0xe4: {  	v56 =	vmul.f32 $6.553700000e+04, v38;
	_ =	sdelay $0x1  }
0xe5: {  	v38 =	vsub.f32 v56, v38;
	_ =	sdelay $0x1  }
0xe6: {  	v38 =	vsub.f32 v56, v38;
	_ =	sdelay $0x1  }
0xe7: {  	v39 =	vperm.xlane v38, v0  }
0xe8: {  	v40 =	vperm.xlane v38, v1;
	v41 =	vperm.xlane v38, v2  }
0xe9: {  	v42 =	vperm.xlane v38, v3;
	v43 =	vperm.xlane v38, v4  }
0xea: {  	v44 =	vperm.xlane v38, v5;
	v45 =	vperm.xlane v38, v6  }
0xeb: {  	v46 =	vperm.xlane v38, v7;
	v47 =	vperm.xlane v38, v8  }
0xec: {  	v38 =	vperm.xlane v38, v9;
	v48 =	vmul.f32 v39, v16  }
0xed: {  	v57 =	vmul.f32 v40, v17;
	v58 =	vmul.f32 v41, v18  }
0xee: {  	v59 =	vmul.f32 v42, v19;
	v60 =	vmul.f32 v43, v20  }
0xef: {  	v61 =	vmul.f32 v44, v21;
	v62 =	vmul.f32 v45, v22  }
0xf0: {  	v63 =	vmul.f32 v46, v23;
	v39 =	vmul.f32 v39, v26  }
0xf1: {  	v40 =	vmul.f32 v40, v27;
	v41 =	vmul.f32 v41, v28  }
0xf2: {  	v42 =	vmul.f32 v42, v29;
	v43 =	vmul.f32 v43, v30  }
0xf3: {  	v44 =	vmul.f32 v44, v31;
	v45 =	vmul.f32 v45, v32  }
0xf4: {  	v46 =	vmul.f32 v46, v33;
	v48 =	vadd.f32 v57, v48;
	v57 =	vadd.f32 v59, v58  }
0xf5: {  	v56 =	vmul.f32 v47, v34;
	v58 =	vadd.f32 v61, v60;
	v59 =	vadd.f32 v63, v62  }
0xf6: {  	v60 =	vmul.f32 v47, v24;
	v39 =	vadd.f32 v40, v39;
	v61 =	vadd.f32 v42, v41  }
0xf7: {  	v62 =	vmul.f32 v38, v25;
	v63 =	vadd.f32 v44, v43;
	v53 =	vadd.f32 v46, v45  }
0xf8: {  	v38 =	vmul.f32 v38, v35;
	v54 =	vadd.f32 v57, v48;
	v55 =	vadd.f32 v59, v58  }
0xf9: {  	v39 =	vadd.f32 v61, v39;
	v57 =	vadd.f32 v53, v63  }
0xfa: {  	v41 =	vadd.f32 v62, v60;
	v38 =	vadd.f32 v38, v56  }
0xfb: {  	v58 =	vadd.f32 v55, v54;
	v39 =	vadd.f32 v57, v39;
	_ =	sdelay $0x1  }
0xfc: {  	v59 =	vadd.f32 v41, v58;
	v38 =	vadd.f32 v38, v39;
	_ =	sdelay $0x1  }
0xfd: {  	v60 =	vadd.f32 v59, v36;
	v38 =	vadd.f32 v38, v37;
	_ =	sdelay $0x1  }
0xfe: {  	v40 =	vmax.f32 v60, v38  }
0xff: {  	v61 =	vperm.xlane v40, v10;
	_ =	sdelay $0x1  }
0x100: {  	v40 =	vmax.f32 v40, v61  }
0x101: {  	v41 =	vperm.xlane v40, v11;
	_ =	sdelay $0x1  }
0x102: {  	v40 =	vmax.f32 v40, v41  }
0x103: {  	v41 =	vperm.xlane v40, v13;
	_ =	sdelay $0x1  }
0x104: {  	v40 =	vmax.f32 v40, v41  }
0x105: {  	v41 =	vperm.xlane v40, v14;
	_ =	sdelay $0x1  }
0x106: {  	v40 =	vmax.f32 v40, v41  }
0x107: {  	vm13 =	veq.f32 v38, v40  }
0x108: {  	vm14 =	veq.f32 v60, v40;
	v38 =	vnsel vm13, $0x40, v15  }
0x109: {  	v38 =	vsel vm14, v12, v38  }
0x10a: {  	v62 =	vperm.xlane v38, v10;
	_ =	sdelay $0x1  }
0x10b: {  	vm15 =	vlt.s32 v38, v62  }
0x10c: {  	v38 =	vsel vm15, v38, v62  }
0x10d: {  	v39 =	vperm.xlane v38, v11;
	_ =	sdelay $0x1  }
0x10e: {  	vm0 =	vlt.s32 v38, v39  }
0x10f: {  	v38 =	vsel vm0, v38, v39  }
0x110: {  	v39 =	vperm.xlane v38, v13;
	_ =	sdelay $0x1  }
0x111: {  	vm0 =	vlt.s32 v38, v39  }
0x112: {  	v38 =	vsel vm0, v38, v39  }
0x113: {  	v39 =	vperm.xlane v38, v14;
	_ =	sdelay $0x1  }
0x114: {  	vm0 =	vlt.s32 v38, v39  }
0x115: {  	v38 =	vsel vm0, v38, v39  }
0x116: {  	(v2sf) =	vpush v38, $0x0;
	_ =	sdelay $0xe  }
0x117: {  	s31 =	spop (v2sf)  }
0x118: {  	s21 =	smul.u32 $0x28, s31;
	_ =	sdelay $0x1  }
0x119: {  	s18 =	sadd.s32 $0x4, s18;
	s21 =	sshra.s32 s21, $0x2  }
0x11a: {  	p0 =	slt.u32 s18, $0x3FC;
	v63 =	vld [tilespmem:s21+$0x5280]  }
.Ltmp0:
0x11b: {  	_ = 	snop;
	(pc) =	sbr.rel @p0 .LBB2_3-.Ltmp0, $2  }
0x11c: {  	_ =	sdelay $0x2  }
0x11d: {  	s19 =	sadd.s32 $0x28, s19;
	[tilespmem:s20+$0xA] =	vst v63;
	s20 =	sadd.s32 $0x28, s20  }
0x11e: {  	s16 =	sadd.s32 $0x1, s16  }
0x11f: {  	p0 =	sne.s32 s16, $0x8  }
.Ltmp1:
0x120: {  	s17 =	sadd.s32 s7, s17;
	(pc) =	sbr.rel @p0 .LBB2_2-.Ltmp1, $4  }
0x121: {  	[hbm4b:s17+s2] =	stream.linear.scatter [tilespmem:s14], [sflag:$0x1], $0x2800, $0x38;
	[tilespmem:$0x5480] =	vst v63  }
0x122: {  	_ =	swait.ge [sflag:s11], $0x2800  }
0x123: {  	[sflag:s11] =	ssyncset.done $0x0  }
0x124: {  	[sflag:s11] =	ssyncadd.s32 $0xFFFFD800  }
0x125: {  	s15 =	sadd.s32 $0x1, s15  }
0x126: {  	p0 =	sne.s32 s15, s9  }
.Ltmp2:
0x127: {  	_ = 	snop;
	(pc) =	sbr.rel @p0 .LBB2_1-.Ltmp2, $1  }
0x128: {  	_ =	sdelay $0x3  }
0x129: {  	_ =	sfence.sel $0x180000  }
0x12a: {  	[bflag:$0x0] =	sbarrier.arrive $0xFFFF  }
0x12b: {  	p0 =	sne.s32 s3, $0x0;
	_ =	strace $0x90000047  }
0x12c: {  	s0 =	sadd.s32 @!p0 $0x100000, s1;
	[bflag:$0x2] =	sbarrier.arrive $0xFFFF  }
0x12d: {  	[sflag:s0] =	ssyncadd.tile.s32 @!p0 $0x1;
	_ =	shalt  }
.Lfunc_end2:
_tile_overlayer_lowered:
.L_overlay_start_2:
0x12e: {  	(tag) =	ssettag $0x2  }
0x12f: {  	s0 =	rddreg [dreg:$0x0];
	s2 =	stileid.u32  }
0x130: {  	s1 =	rddreg [dreg:$0x1];
	p0 =	sne.s32 s2, $0x0  }
0x131: {  	s3 =	rddreg [dreg:$0x2];
	[bflag:$0x3] =	sbarrier.arrive $0xFFFF;
	s2 =	simm.s32 @!p0 $0x1C01  }
0x132: {  	[timem:s3], [sflag:s2] =	dma.local @!p0 [hbm:s0], s1  }
0x133: {  	s0 =	simm.s32 @!p0 $0x1  }
0x134: {  	_ =	swait.ge @!p0 [sflag:s0], s1  }
0x135: {  	s1 =	ssub.s32 @!p0 $0x0, s1;
	[sflag:s0] =	ssyncset.done @!p0 $0x0  }
0x136: {  	[sflag:s0] =	ssyncadd.s32 @!p0 s1  }
0x137: {  	[bflag:$0x3] =	sbarrier.arrive $0xFFFF  }
0x138: {  	_ =	shalt  }

</sc_bundles>
